<compile_context>
chip_gen: v7x
topology: tpu7x:2x2x1
jax: 0.10.2.dev20260603
libtpu: 0.0.44.dev20260713+nightly
codegen_flags: <defaults>
</compile_context>

<pallas_src>
import functools

import jax
import jax.numpy as jnp
from jax import lax
from jax.experimental import pallas as pl
from jax.experimental.pallas import tpu as pltpu
from jax.experimental.pallas import tpu_sc as plsc

N = 10000
D = 128
E = 320000

NC = 2
NS = 16
NW = NC * NS
CHUNK = 128
NBUF = 3
K0 = 105
K1 = 54
E_PAD = NS * CHUNK * (K0 + K1)
N_PAD = 10112
ROWS_PER_TILE = N_PAD // NS


def _sc_aggregate(x, src2d, dst2d, zeros):
    mesh = plsc.VectorSubcoreMesh(core_axis_name="c", subcore_axis_name="s")

    @functools.partial(
        pl.kernel,
        mesh=mesh,
        out_type=jax.ShapeDtypeStruct((NC, N_PAD, D), jnp.float32),
        scratch_types=[
            [pltpu.VMEM((CHUNK,), jnp.int32) for _ in range(NBUF)],
            [pltpu.VMEM((CHUNK,), jnp.int32) for _ in range(NBUF)],
            [pltpu.VMEM((CHUNK, D), jnp.float32) for _ in range(NBUF)],
            pltpu.VMEM_SHARED((N_PAD, D), jnp.float32),
            [pltpu.SemaphoreType.DMA for _ in range(NBUF)],
        ],
    )
    def agg_kernel(x_hbm, src_hbm, dst_hbm, zero_hbm, out_hbm,
                   srcv, dstv, rows, acc_sh, gsems):
        c = lax.axis_index("c")
        s = lax.axis_index("s")
        wid = s * NC + c
        r0 = pl.multiple_of(s * ROWS_PER_TILE, 8)
        pltpu.sync_copy(zero_hbm.at[pl.ds(r0, ROWS_PER_TILE)],
                        acc_sh.at[pl.ds(r0, ROWS_PER_TILE)])
        plsc.subcore_barrier()

        base = jnp.where(c == 0, s * K0, NS * K0 + s * K1)
        kc = jnp.where(c == 0, K0, K1)

        def do_chunk(j, b):
            pltpu.sync_copy(src_hbm.at[base + j], srcv[b])
            d = pltpu.async_copy(x_hbm.at[srcv[b]], rows[b], gsems[b])
            pltpu.sync_copy(dst_hbm.at[base + j], dstv[b])
            return d

        def body(g, carry):
            descs = [do_chunk(NBUF * g + b, b) for b in range(NBUF)]
            for b in range(NBUF):
                descs[b].wait()
                pltpu.sync_copy(rows[b], acc_sh.at[dstv[b]], add=True)
            return carry

        lax.fori_loop(0, kc // NBUF, body, 0)
        plsc.subcore_barrier()
        pltpu.sync_copy(acc_sh.at[pl.ds(r0, ROWS_PER_TILE)],
                        out_hbm.at[c, pl.ds(r0, ROWS_PER_TILE)])

    return agg_kernel(x, src2d, dst2d, zeros)


def _tc_mlp(z, parts, W1, b1, W2, b2):
    BLK = 1000

    def body(z_ref, p0_ref, p1_ref, W1_ref, b1_ref, W2_ref, b2_ref, o_ref):
        h = z_ref[...] + p0_ref[0] + p1_ref[0]
        h = jnp.maximum(
            jnp.dot(h, W1_ref[...], preferred_element_type=jnp.float32)
            + b1_ref[...], 0.0)
        o_ref[...] = jnp.maximum(
            jnp.dot(h, W2_ref[...], preferred_element_type=jnp.float32)
            + b2_ref[...], 0.0)

    return pl.pallas_call(
        body,
        grid=(N // BLK,),
        in_specs=[
            pl.BlockSpec((BLK, D), lambda i: (i, 0)),
            pl.BlockSpec((1, BLK, D), lambda i: (0, i, 0)),
            pl.BlockSpec((1, BLK, D), lambda i: (1, i, 0)),
            pl.BlockSpec((D, D), lambda i: (0, 0)),
            pl.BlockSpec((1, D), lambda i: (0, 0)),
            pl.BlockSpec((D, D), lambda i: (0, 0)),
            pl.BlockSpec((1, D), lambda i: (0, 0)),
        ],
        out_specs=pl.BlockSpec((BLK, D), lambda i: (i, 0)),
        out_shape=jax.ShapeDtypeStruct((N, D), jnp.float32),
    )(z, parts, parts, W1, b1.reshape(1, D), W2, b2.reshape(1, D))


def kernel(x, edge_index, W1_0, b1_0, W2_0, b2_0, W1_1, b1_1, W2_1, b2_1):
    pad = E_PAD - E
    pad_dst = N + (jnp.arange(pad, dtype=jnp.int32) % (N_PAD - N))
    src2d = jnp.concatenate(
        [edge_index[0], jnp.zeros((pad,), jnp.int32)]).reshape(-1, CHUNK)
    dst2d = jnp.concatenate([edge_index[1], pad_dst]).reshape(-1, CHUNK)
    zeros = jnp.zeros((N_PAD, D), jnp.float32)

    parts = _sc_aggregate(x, src2d, dst2d, zeros)
    z1 = _tc_mlp(x, parts, W1_0, b1_0, W2_0, b2_0)
    parts = _sc_aggregate(z1, src2d, dst2d, zeros)
    return _tc_mlp(z1, parts, W1_1, b1_1, W2_1, b2_1)

# --- scband reference (transcript-rebuilt; emitter-appended) ---
"""Pipeline reference for scband-graph-encoder-47330539602050 (READ-ONLY COPY).

The authoritative reference and input builder live on the scoring server;
editing this copy changes nothing except your own understanding.
"""

import jax, jax.numpy as jnp
import numpy as np

N = 10000
E = 320000
D = 128


def setup_inputs(seed: int = 0) -> dict:
    key = jax.random.key(seed)
    ks = jax.random.split(key, 12)
    x = jax.random.normal(ks[0], (N, D), dtype=jnp.float32)
    edge_index = jax.random.randint(ks[1], (2, E), 0, N, dtype=jnp.int32)
    s = 1.0 / np.sqrt(D)
    W1_0 = jax.random.normal(ks[2], (D, D), dtype=jnp.float32) * s
    b1_0 = jnp.zeros((D,), dtype=jnp.float32)
    W2_0 = jax.random.normal(ks[3], (D, D), dtype=jnp.float32) * s
    b2_0 = jnp.zeros((D,), dtype=jnp.float32)
    W1_1 = jax.random.normal(ks[4], (D, D), dtype=jnp.float32) * s
    b1_1 = jnp.zeros((D,), dtype=jnp.float32)
    W2_1 = jax.random.normal(ks[5], (D, D), dtype=jnp.float32) * s
    b2_1 = jnp.zeros((D,), dtype=jnp.float32)
    return {"x": x, "edge_index": edge_index,
            "W1_0": W1_0, "b1_0": b1_0, "W2_0": W2_0, "b2_0": b2_0,
            "W1_1": W1_1, "b1_1": b1_1, "W2_1": W2_1, "b2_1": b2_1}


def _gin_conv(z, edge_index, W1, b1, W2, b2, eps=0.0):
    # GINConv: MLP((1+eps)*x + sum_{j in N(i)} x_j)
    src = edge_index[0]
    dst = edge_index[1]
    msgs = jnp.take(z, src, axis=0)                 # gather (SparseCore-friendly)
    agg = jax.ops.segment_sum(msgs, dst, num_segments=N)  # scatter-add
    h = (1.0 + eps) * z + agg
    h = jnp.maximum(h @ W1 + b1, 0.0)               # Linear -> ReLU
    h = h @ W2 + b2                                  # Linear
    return h


def reference(x, edge_index, W1_0, b1_0, W2_0, b2_0, W1_1, b1_1, W2_1, b2_1):
    z = _gin_conv(x, edge_index, W1_0, b1_0, W2_0, b2_0)
    z = jnp.maximum(z, 0.0)  # self.activation (ReLU), no batch norm
    z = _gin_conv(z, edge_index, W1_1, b1_1, W2_1, b2_1)
    z = jnp.maximum(z, 0.0)
    return z

if __name__ == "__main__":
    import jax
    _d = setup_inputs()
    print(jax.jit(kernel)(*tuple(_d.values())))

</pallas_src>

<mosaic_0001>
#map = affine_map<(d0, d1) -> (0, 0)>
#map1 = affine_map<(d0, d1) -> (0, 0, 0)>
module attributes {stable_mosaic.version = 14 : i64} {
  func.func @agg_kernel(%arg0: i32, %arg1: i32, %arg2: memref<10000x128xf32, #tpu.memory_space<hbm>>, %arg3: memref<2544x128xi32, #tpu.memory_space<hbm>>, %arg4: memref<2544x128xi32, #tpu.memory_space<hbm>>, %arg5: memref<10112x128xf32, #tpu.memory_space<hbm>>, %arg6: memref<2x10112x128xf32, #tpu.memory_space<hbm>>, %arg7: memref<128xi32, #tpu.memory_space<vmem>>, %arg8: memref<128xi32, #tpu.memory_space<vmem>>, %arg9: memref<128xi32, #tpu.memory_space<vmem>>, %arg10: memref<128xi32, #tpu.memory_space<vmem>>, %arg11: memref<128xi32, #tpu.memory_space<vmem>>, %arg12: memref<128xi32, #tpu.memory_space<vmem>>, %arg13: memref<128x128xf32, #tpu.memory_space<vmem>>, %arg14: memref<128x128xf32, #tpu.memory_space<vmem>>, %arg15: memref<128x128xf32, #tpu.memory_space<vmem>>, %arg16: memref<10112x128xf32, #tpu.memory_space<vmem_shared>>, %arg17: memref<!tpu.dma_semaphore, #tpu.memory_space<semaphore_mem>>, %arg18: memref<!tpu.dma_semaphore, #tpu.memory_space<semaphore_mem>>, %arg19: memref<!tpu.dma_semaphore, #tpu.memory_space<semaphore_mem>>) attributes {dimension_semantics = [#tpu.dimension_semantics<core_parallel>, #tpu.dimension_semantics<subcore_parallel>], iteration_bounds = array<i64: 2, 16>, scalar_prefetch = 0 : i64, scratch_operands = 13 : i64, tpu.core_type = #tpu.core_type<sc_vector_subcore>, window_params = [{transform_indices = #map}, {transform_indices = #map}, {transform_indices = #map}, {transform_indices = #map}, {transform_indices = #map1}]} {
    %mul3A = arith.constant 2 : i32
    %mul3A_0 = arith.muli %arg1, %mul3A : i32
    %add3A = arith.addi %mul3A_0, %arg0 : i32
    %mul3A_1 = arith.constant 632 : i32
    %mul3A_2 = arith.muli %arg1, %mul3A_1 : i32
    %multiple_of3A = tpu.assume_multiple %mul3A_2, 8 : i32
    "tpu.region"() ({
      %run_scoped3A = tpu.sem_alloc : memref<!tpu.dma_semaphore, #tpu.memory_space<semaphore_mem>>
      %dma_start3A = arith.constant 0 : i32
      %dma_start3A_42 = tpu.memref_slice %arg16[%multiple_of3A, %dma_start3A] : memref<10112x128xf32, #tpu.memory_space<vmem_shared>> -> memref<632x128xf32, #tpu.memory_space<vmem_shared>>
      %dma_start3A_43 = arith.constant 0 : i32
      %dma_start3A_44 = tpu.memref_slice %arg5[%multiple_of3A, %dma_start3A_43] : memref<10112x128xf32, #tpu.memory_space<hbm>> -> memref<632x128xf32, #tpu.memory_space<hbm>>
      tpu.enqueue_dma source(%dma_start3A_44 : memref<632x128xf32, #tpu.memory_space<hbm>>) target(%dma_start3A_42 : memref<632x128xf32, #tpu.memory_space<vmem_shared>>) target_semaphore(%run_scoped3A : memref<!tpu.dma_semaphore, #tpu.memory_space<semaphore_mem>>)
      %dma_wait3A = arith.constant 0 : i32
      %dma_wait3A_45 = tpu.memref_slice %arg16[%multiple_of3A, %dma_wait3A] : memref<10112x128xf32, #tpu.memory_space<vmem_shared>> -> memref<632x128xf32, #tpu.memory_space<vmem_shared>>
      %dma_wait3A_46 = arith.constant 0 : i32
      %dma_wait3A_47 = tpu.memref_slice %arg5[%multiple_of3A, %dma_wait3A_46] : memref<10112x128xf32, #tpu.memory_space<hbm>> -> memref<632x128xf32, #tpu.memory_space<hbm>>
      tpu.wait_dma2 semaphore(%run_scoped3A : memref<!tpu.dma_semaphore, #tpu.memory_space<semaphore_mem>>) src(%dma_wait3A_47 : memref<632x128xf32, #tpu.memory_space<hbm>>) dst(%dma_wait3A_45 : memref<632x128xf32, #tpu.memory_space<vmem_shared>>)
      tpu.yield
    }) : () -> ()
    %barrier3A = arith.constant 0 : index
    tpu.barrier barrier_id(%barrier3A)
    %eq3A = arith.constant 0 : i32
    %eq3A_3 = arith.cmpi eq, %arg0, %eq3A : i32
    %mul3A_4 = arith.constant 105 : i32
    %mul3A_5 = arith.muli %arg1, %mul3A_4 : i32
    %mul3A_6 = arith.constant 54 : i32
    %mul3A_7 = arith.muli %arg1, %mul3A_6 : i32
    %add3A_8 = arith.constant 1680 : i32
    %add3A_9 = arith.addi %add3A_8, %mul3A_7 : i32
    %select_n3A = arith.select %eq3A_3, %mul3A_5, %add3A_9 : i32
    %eq3A_10 = arith.constant 0 : i32
    %eq3A_11 = arith.cmpi eq, %arg0, %eq3A_10 : i32
    %jit3A = arith.constant 105 : i32
    %jit3A_12 = arith.constant 54 : i32
    %select_n3A_13 = arith.select %eq3A_11, %jit3A, %jit3A_12 : i32
    %jit3A_14 = arith.constant 3 : i32
    %div3A = arith.divsi %select_n3A_13, %jit3A_14 : i32
    %sign3A = arith.constant 0 : i32
    %sign3A_15 = arith.cmpi sgt, %select_n3A_13, %sign3A : i32
    %sign3A_16 = arith.extui %sign3A_15 : i1 to i32
    %sign3A_17 = arith.constant 0 : i32
    %sign3A_18 = arith.cmpi slt, %select_n3A_13, %sign3A_17 : i32
    %sign3A_19 = arith.extui %sign3A_18 : i1 to i32
    %sign3A_20 = arith.subi %sign3A_16, %sign3A_19 : i32
    %sign3A_21 = arith.constant 0 : i32
    %sign3A_22 = arith.cmpi sgt, %jit3A_14, %sign3A_21 : i32
    %sign3A_23 = arith.extui %sign3A_22 : i1 to i32
    %sign3A_24 = arith.constant 0 : i32
    %sign3A_25 = arith.cmpi slt, %jit3A_14, %sign3A_24 : i32
    %sign3A_26 = arith.extui %sign3A_25 : i1 to i32
    %sign3A_27 = arith.subi %sign3A_23, %sign3A_26 : i32
    %ne3A = arith.cmpi ne, %sign3A_20, %sign3A_27 : i32
    %rem3A = arith.remsi %select_n3A_13, %jit3A_14 : i32
    %ne3A_28 = arith.constant 0 : i32
    %ne3A_29 = arith.cmpi ne, %rem3A, %ne3A_28 : i32
    %and3A = arith.andi %ne3A, %ne3A_29 : i1
    %sub3A = arith.constant 1 : i32
    %sub3A_30 = arith.subi %div3A, %sub3A : i32
    %select_n3A_31 = arith.select %and3A, %sub3A_30, %div3A : i32
    %while3A = arith.constant 0 : i32
    %while3A_32 = arith.constant 0 : i32
    %while3A_33 = arith.subi %select_n3A_31, %while3A_32 : i32
    %while3A_34 = arith.addi %while3A_32, %while3A_33 : i32
    %while3A_35 = arith.constant 1 : i32
    %while3A_36 = arith.divsi %while3A_33, %while3A_35 : i32
    %while3A_37 = arith.muli %while3A_36, %while3A_35 : i32
    %while3A_38 = arith.addi %while3A_32, %while3A_37 : i32
    %while3A_39 = arith.constant 1 : i32
    scf.for %while3A_42 = %while3A_32 to %while3A_38 step %while3A_39  : i32 {
      %mul3A_43 = arith.constant 3 : i32
      %mul3A_44 = arith.muli %mul3A_43, %while3A_42 : i32
      %add3A_45 = arith.constant 0 : i32
      %add3A_46 = arith.addi %mul3A_44, %add3A_45 : i32
      %add3A_47 = arith.addi %select_n3A, %add3A_46 : i32
      "tpu.region"() ({
        %run_scoped3A = tpu.sem_alloc : memref<!tpu.dma_semaphore, #tpu.memory_space<semaphore_mem>>
        %dma_start3A_77 = arith.constant 0 : i32
        %dma_start3A_78 = tpu.memref_slice %arg3[%add3A_47, %dma_start3A_77] : memref<2544x128xi32, #tpu.memory_space<hbm>> -> memref<1x128xi32, #tpu.memory_space<hbm>>
        %dma_start3A_79 = tpu.memref_squeeze %dma_start3A_78 : memref<1x128xi32, #tpu.memory_space<hbm>> -> memref<128xi32, #tpu.memory_space<hbm>>
        %dma_start3A_80 = arith.constant 0 : i32
        %dma_start3A_81 = tpu.memref_slice %arg3[%add3A_47, %dma_start3A_80] : memref<2544x128xi32, #tpu.memory_space<hbm>> -> memref<1x128xi32, #tpu.memory_space<hbm>>
        %dma_start3A_82 = tpu.memref_squeeze %dma_start3A_81 : memref<1x128xi32, #tpu.memory_space<hbm>> -> memref<128xi32, #tpu.memory_space<hbm>>
        tpu.enqueue_dma source(%dma_start3A_82 : memref<128xi32, #tpu.memory_space<hbm>>) target(%arg7 : memref<128xi32, #tpu.memory_space<vmem>>) target_semaphore(%run_scoped3A : memref<!tpu.dma_semaphore, #tpu.memory_space<semaphore_mem>>)
        %dma_wait3A_83 = arith.constant 0 : i32
        %dma_wait3A_84 = tpu.memref_slice %arg3[%add3A_47, %dma_wait3A_83] : memref<2544x128xi32, #tpu.memory_space<hbm>> -> memref<1x128xi32, #tpu.memory_space<hbm>>
        %dma_wait3A_85 = tpu.memref_squeeze %dma_wait3A_84 : memref<1x128xi32, #tpu.memory_space<hbm>> -> memref<128xi32, #tpu.memory_space<hbm>>
        %dma_wait3A_86 = arith.constant 0 : i32
        %dma_wait3A_87 = tpu.memref_slice %arg3[%add3A_47, %dma_wait3A_86] : memref<2544x128xi32, #tpu.memory_space<hbm>> -> memref<1x128xi32, #tpu.memory_space<hbm>>
        %dma_wait3A_88 = tpu.memref_squeeze %dma_wait3A_87 : memref<1x128xi32, #tpu.memory_space<hbm>> -> memref<128xi32, #tpu.memory_space<hbm>>
        tpu.wait_dma2 semaphore(%run_scoped3A : memref<!tpu.dma_semaphore, #tpu.memory_space<semaphore_mem>>) src(%dma_wait3A_88 : memref<128xi32, #tpu.memory_space<hbm>>) dst(%arg7 : memref<128xi32, #tpu.memory_space<vmem>>)
        tpu.yield
      }) : () -> ()
      %dma_start3A = arith.constant 0 : i32
      %dma_start3A_48 = arith.constant 0 : i32
      %dma_start3A_49 = tpu.memref_slice %arg2[%dma_start3A, %dma_start3A_48] : memref<10000x128xf32, #tpu.memory_space<hbm>> -> memref<10000x128xf32, #tpu.memory_space<hbm>>
      tpu.enqueue_indirect_dma source(%dma_start3A_49 : memref<10000x128xf32, #tpu.memory_space<hbm>>) target(%arg13 : memref<128x128xf32, #tpu.memory_space<vmem>>) offsets(%arg7 : memref<128xi32, #tpu.memory_space<vmem>>) semaphore(%arg17 : memref<!tpu.dma_semaphore, #tpu.memory_space<semaphore_mem>>)
      %add3A_50 = arith.addi %select_n3A, %add3A_46 : i32
      "tpu.region"() ({
        %run_scoped3A = tpu.sem_alloc : memref<!tpu.dma_semaphore, #tpu.memory_space<semaphore_mem>>
        %dma_start3A_77 = arith.constant 0 : i32
        %dma_start3A_78 = tpu.memref_slice %arg4[%add3A_50, %dma_start3A_77] : memref<2544x128xi32, #tpu.memory_space<hbm>> -> memref<1x128xi32, #tpu.memory_space<hbm>>
        %dma_start3A_79 = tpu.memref_squeeze %dma_start3A_78 : memref<1x128xi32, #tpu.memory_space<hbm>> -> memref<128xi32, #tpu.memory_space<hbm>>
        %dma_start3A_80 = arith.constant 0 : i32
        %dma_start3A_81 = tpu.memref_slice %arg4[%add3A_50, %dma_start3A_80] : memref<2544x128xi32, #tpu.memory_space<hbm>> -> memref<1x128xi32, #tpu.memory_space<hbm>>
        %dma_start3A_82 = tpu.memref_squeeze %dma_start3A_81 : memref<1x128xi32, #tpu.memory_space<hbm>> -> memref<128xi32, #tpu.memory_space<hbm>>
        tpu.enqueue_dma source(%dma_start3A_82 : memref<128xi32, #tpu.memory_space<hbm>>) target(%arg10 : memref<128xi32, #tpu.memory_space<vmem>>) target_semaphore(%run_scoped3A : memref<!tpu.dma_semaphore, #tpu.memory_space<semaphore_mem>>)
        %dma_wait3A_83 = arith.constant 0 : i32
        %dma_wait3A_84 = tpu.memref_slice %arg4[%add3A_50, %dma_wait3A_83] : memref<2544x128xi32, #tpu.memory_space<hbm>> -> memref<1x128xi32, #tpu.memory_space<hbm>>
        %dma_wait3A_85 = tpu.memref_squeeze %dma_wait3A_84 : memref<1x128xi32, #tpu.memory_space<hbm>> -> memref<128xi32, #tpu.memory_space<hbm>>
        %dma_wait3A_86 = arith.constant 0 : i32
        %dma_wait3A_87 = tpu.memref_slice %arg4[%add3A_50, %dma_wait3A_86] : memref<2544x128xi32, #tpu.memory_space<hbm>> -> memref<1x128xi32, #tpu.memory_space<hbm>>
        %dma_wait3A_88 = tpu.memref_squeeze %dma_wait3A_87 : memref<1x128xi32, #tpu.memory_space<hbm>> -> memref<128xi32, #tpu.memory_space<hbm>>
        tpu.wait_dma2 semaphore(%run_scoped3A : memref<!tpu.dma_semaphore, #tpu.memory_space<semaphore_mem>>) src(%dma_wait3A_88 : memref<128xi32, #tpu.memory_space<hbm>>) dst(%arg10 : memref<128xi32, #tpu.memory_space<vmem>>)
        tpu.yield
      }) : () -> ()
      %mul3A_51 = arith.constant 3 : i32
      %mul3A_52 = arith.muli %mul3A_51, %while3A_42 : i32
      %add3A_53 = arith.constant 1 : i32
      %add3A_54 = arith.addi %mul3A_52, %add3A_53 : i32
      %add3A_55 = arith.addi %select_n3A, %add3A_54 : i32
      "tpu.region"() ({
        %run_scoped3A = tpu.sem_alloc : memref<!tpu.dma_semaphore, #tpu.memory_space<semaphore_mem>>
        %dma_start3A_77 = arith.constant 0 : i32
        %dma_start3A_78 = tpu.memref_slice %arg3[%add3A_55, %dma_start3A_77] : memref<2544x128xi32, #tpu.memory_space<hbm>> -> memref<1x128xi32, #tpu.memory_space<hbm>>
        %dma_start3A_79 = tpu.memref_squeeze %dma_start3A_78 : memref<1x128xi32, #tpu.memory_space<hbm>> -> memref<128xi32, #tpu.memory_space<hbm>>
        %dma_start3A_80 = arith.constant 0 : i32
        %dma_start3A_81 = tpu.memref_slice %arg3[%add3A_55, %dma_start3A_80] : memref<2544x128xi32, #tpu.memory_space<hbm>> -> memref<1x128xi32, #tpu.memory_space<hbm>>
        %dma_start3A_82 = tpu.memref_squeeze %dma_start3A_81 : memref<1x128xi32, #tpu.memory_space<hbm>> -> memref<128xi32, #tpu.memory_space<hbm>>
        tpu.enqueue_dma source(%dma_start3A_82 : memref<128xi32, #tpu.memory_space<hbm>>) target(%arg8 : memref<128xi32, #tpu.memory_space<vmem>>) target_semaphore(%run_scoped3A : memref<!tpu.dma_semaphore, #tpu.memory_space<semaphore_mem>>)
        %dma_wait3A_83 = arith.constant 0 : i32
        %dma_wait3A_84 = tpu.memref_slice %arg3[%add3A_55, %dma_wait3A_83] : memref<2544x128xi32, #tpu.memory_space<hbm>> -> memref<1x128xi32, #tpu.memory_space<hbm>>
        %dma_wait3A_85 = tpu.memref_squeeze %dma_wait3A_84 : memref<1x128xi32, #tpu.memory_space<hbm>> -> memref<128xi32, #tpu.memory_space<hbm>>
        %dma_wait3A_86 = arith.constant 0 : i32
        %dma_wait3A_87 = tpu.memref_slice %arg3[%add3A_55, %dma_wait3A_86] : memref<2544x128xi32, #tpu.memory_space<hbm>> -> memref<1x128xi32, #tpu.memory_space<hbm>>
        %dma_wait3A_88 = tpu.memref_squeeze %dma_wait3A_87 : memref<1x128xi32, #tpu.memory_space<hbm>> -> memref<128xi32, #tpu.memory_space<hbm>>
        tpu.wait_dma2 semaphore(%run_scoped3A : memref<!tpu.dma_semaphore, #tpu.memory_space<semaphore_mem>>) src(%dma_wait3A_88 : memref<128xi32, #tpu.memory_space<hbm>>) dst(%arg8 : memref<128xi32, #tpu.memory_space<vmem>>)
        tpu.yield
      }) : () -> ()
      %dma_start3A_56 = arith.constant 0 : i32
      %dma_start3A_57 = arith.constant 0 : i32
      %dma_start3A_58 = tpu.memref_slice %arg2[%dma_start3A_56, %dma_start3A_57] : memref<10000x128xf32, #tpu.memory_space<hbm>> -> memref<10000x128xf32, #tpu.memory_space<hbm>>
      tpu.enqueue_indirect_dma source(%dma_start3A_58 : memref<10000x128xf32, #tpu.memory_space<hbm>>) target(%arg14 : memref<128x128xf32, #tpu.memory_space<vmem>>) offsets(%arg8 : memref<128xi32, #tpu.memory_space<vmem>>) semaphore(%arg18 : memref<!tpu.dma_semaphore, #tpu.memory_space<semaphore_mem>>)
      %add3A_59 = arith.addi %select_n3A, %add3A_54 : i32
      "tpu.region"() ({
        %run_scoped3A = tpu.sem_alloc : memref<!tpu.dma_semaphore, #tpu.memory_space<semaphore_mem>>
        %dma_start3A_77 = arith.constant 0 : i32
        %dma_start3A_78 = tpu.memref_slice %arg4[%add3A_59, %dma_start3A_77] : memref<2544x128xi32, #tpu.memory_space<hbm>> -> memref<1x128xi32, #tpu.memory_space<hbm>>
        %dma_start3A_79 = tpu.memref_squeeze %dma_start3A_78 : memref<1x128xi32, #tpu.memory_space<hbm>> -> memref<128xi32, #tpu.memory_space<hbm>>
        %dma_start3A_80 = arith.constant 0 : i32
        %dma_start3A_81 = tpu.memref_slice %arg4[%add3A_59, %dma_start3A_80] : memref<2544x128xi32, #tpu.memory_space<hbm>> -> memref<1x128xi32, #tpu.memory_space<hbm>>
        %dma_start3A_82 = tpu.memref_squeeze %dma_start3A_81 : memref<1x128xi32, #tpu.memory_space<hbm>> -> memref<128xi32, #tpu.memory_space<hbm>>
        tpu.enqueue_dma source(%dma_start3A_82 : memref<128xi32, #tpu.memory_space<hbm>>) target(%arg11 : memref<128xi32, #tpu.memory_space<vmem>>) target_semaphore(%run_scoped3A : memref<!tpu.dma_semaphore, #tpu.memory_space<semaphore_mem>>)
        %dma_wait3A_83 = arith.constant 0 : i32
        %dma_wait3A_84 = tpu.memref_slice %arg4[%add3A_59, %dma_wait3A_83] : memref<2544x128xi32, #tpu.memory_space<hbm>> -> memref<1x128xi32, #tpu.memory_space<hbm>>
        %dma_wait3A_85 = tpu.memref_squeeze %dma_wait3A_84 : memref<1x128xi32, #tpu.memory_space<hbm>> -> memref<128xi32, #tpu.memory_space<hbm>>
        %dma_wait3A_86 = arith.constant 0 : i32
        %dma_wait3A_87 = tpu.memref_slice %arg4[%add3A_59, %dma_wait3A_86] : memref<2544x128xi32, #tpu.memory_space<hbm>> -> memref<1x128xi32, #tpu.memory_space<hbm>>
        %dma_wait3A_88 = tpu.memref_squeeze %dma_wait3A_87 : memref<1x128xi32, #tpu.memory_space<hbm>> -> memref<128xi32, #tpu.memory_space<hbm>>
        tpu.wait_dma2 semaphore(%run_scoped3A : memref<!tpu.dma_semaphore, #tpu.memory_space<semaphore_mem>>) src(%dma_wait3A_88 : memref<128xi32, #tpu.memory_space<hbm>>) dst(%arg11 : memref<128xi32, #tpu.memory_space<vmem>>)
        tpu.yield
      }) : () -> ()
      %mul3A_60 = arith.constant 3 : i32
      %mul3A_61 = arith.muli %mul3A_60, %while3A_42 : i32
      %add3A_62 = arith.constant 2 : i32
      %add3A_63 = arith.addi %mul3A_61, %add3A_62 : i32
      %add3A_64 = arith.addi %select_n3A, %add3A_63 : i32
      "tpu.region"() ({
        %run_scoped3A = tpu.sem_alloc : memref<!tpu.dma_semaphore, #tpu.memory_space<semaphore_mem>>
        %dma_start3A_77 = arith.constant 0 : i32
        %dma_start3A_78 = tpu.memref_slice %arg3[%add3A_64, %dma_start3A_77] : memref<2544x128xi32, #tpu.memory_space<hbm>> -> memref<1x128xi32, #tpu.memory_space<hbm>>
        %dma_start3A_79 = tpu.memref_squeeze %dma_start3A_78 : memref<1x128xi32, #tpu.memory_space<hbm>> -> memref<128xi32, #tpu.memory_space<hbm>>
        %dma_start3A_80 = arith.constant 0 : i32
        %dma_start3A_81 = tpu.memref_slice %arg3[%add3A_64, %dma_start3A_80] : memref<2544x128xi32, #tpu.memory_space<hbm>> -> memref<1x128xi32, #tpu.memory_space<hbm>>
        %dma_start3A_82 = tpu.memref_squeeze %dma_start3A_81 : memref<1x128xi32, #tpu.memory_space<hbm>> -> memref<128xi32, #tpu.memory_space<hbm>>
        tpu.enqueue_dma source(%dma_start3A_82 : memref<128xi32, #tpu.memory_space<hbm>>) target(%arg9 : memref<128xi32, #tpu.memory_space<vmem>>) target_semaphore(%run_scoped3A : memref<!tpu.dma_semaphore, #tpu.memory_space<semaphore_mem>>)
        %dma_wait3A_83 = arith.constant 0 : i32
        %dma_wait3A_84 = tpu.memref_slice %arg3[%add3A_64, %dma_wait3A_83] : memref<2544x128xi32, #tpu.memory_space<hbm>> -> memref<1x128xi32, #tpu.memory_space<hbm>>
        %dma_wait3A_85 = tpu.memref_squeeze %dma_wait3A_84 : memref<1x128xi32, #tpu.memory_space<hbm>> -> memref<128xi32, #tpu.memory_space<hbm>>
        %dma_wait3A_86 = arith.constant 0 : i32
        %dma_wait3A_87 = tpu.memref_slice %arg3[%add3A_64, %dma_wait3A_86] : memref<2544x128xi32, #tpu.memory_space<hbm>> -> memref<1x128xi32, #tpu.memory_space<hbm>>
        %dma_wait3A_88 = tpu.memref_squeeze %dma_wait3A_87 : memref<1x128xi32, #tpu.memory_space<hbm>> -> memref<128xi32, #tpu.memory_space<hbm>>
        tpu.wait_dma2 semaphore(%run_scoped3A : memref<!tpu.dma_semaphore, #tpu.memory_space<semaphore_mem>>) src(%dma_wait3A_88 : memref<128xi32, #tpu.memory_space<hbm>>) dst(%arg9 : memref<128xi32, #tpu.memory_space<vmem>>)
        tpu.yield
      }) : () -> ()
      %dma_start3A_65 = arith.constant 0 : i32
      %dma_start3A_66 = arith.constant 0 : i32
      %dma_start3A_67 = tpu.memref_slice %arg2[%dma_start3A_65, %dma_start3A_66] : memref<10000x128xf32, #tpu.memory_space<hbm>> -> memref<10000x128xf32, #tpu.memory_space<hbm>>
      tpu.enqueue_indirect_dma source(%dma_start3A_67 : memref<10000x128xf32, #tpu.memory_space<hbm>>) target(%arg15 : memref<128x128xf32, #tpu.memory_space<vmem>>) offsets(%arg9 : memref<128xi32, #tpu.memory_space<vmem>>) semaphore(%arg19 : memref<!tpu.dma_semaphore, #tpu.memory_space<semaphore_mem>>)
      %add3A_68 = arith.addi %select_n3A, %add3A_63 : i32
      "tpu.region"() ({
        %run_scoped3A = tpu.sem_alloc : memref<!tpu.dma_semaphore, #tpu.memory_space<semaphore_mem>>
        %dma_start3A_77 = arith.constant 0 : i32
        %dma_start3A_78 = tpu.memref_slice %arg4[%add3A_68, %dma_start3A_77] : memref<2544x128xi32, #tpu.memory_space<hbm>> -> memref<1x128xi32, #tpu.memory_space<hbm>>
        %dma_start3A_79 = tpu.memref_squeeze %dma_start3A_78 : memref<1x128xi32, #tpu.memory_space<hbm>> -> memref<128xi32, #tpu.memory_space<hbm>>
        %dma_start3A_80 = arith.constant 0 : i32
        %dma_start3A_81 = tpu.memref_slice %arg4[%add3A_68, %dma_start3A_80] : memref<2544x128xi32, #tpu.memory_space<hbm>> -> memref<1x128xi32, #tpu.memory_space<hbm>>
        %dma_start3A_82 = tpu.memref_squeeze %dma_start3A_81 : memref<1x128xi32, #tpu.memory_space<hbm>> -> memref<128xi32, #tpu.memory_space<hbm>>
        tpu.enqueue_dma source(%dma_start3A_82 : memref<128xi32, #tpu.memory_space<hbm>>) target(%arg12 : memref<128xi32, #tpu.memory_space<vmem>>) target_semaphore(%run_scoped3A : memref<!tpu.dma_semaphore, #tpu.memory_space<semaphore_mem>>)
        %dma_wait3A_83 = arith.constant 0 : i32
        %dma_wait3A_84 = tpu.memref_slice %arg4[%add3A_68, %dma_wait3A_83] : memref<2544x128xi32, #tpu.memory_space<hbm>> -> memref<1x128xi32, #tpu.memory_space<hbm>>
        %dma_wait3A_85 = tpu.memref_squeeze %dma_wait3A_84 : memref<1x128xi32, #tpu.memory_space<hbm>> -> memref<128xi32, #tpu.memory_space<hbm>>
        %dma_wait3A_86 = arith.constant 0 : i32
        %dma_wait3A_87 = tpu.memref_slice %arg4[%add3A_68, %dma_wait3A_86] : memref<2544x128xi32, #tpu.memory_space<hbm>> -> memref<1x128xi32, #tpu.memory_space<hbm>>
        %dma_wait3A_88 = tpu.memref_squeeze %dma_wait3A_87 : memref<1x128xi32, #tpu.memory_space<hbm>> -> memref<128xi32, #tpu.memory_space<hbm>>
        tpu.wait_dma2 semaphore(%run_scoped3A : memref<!tpu.dma_semaphore, #tpu.memory_space<semaphore_mem>>) src(%dma_wait3A_88 : memref<128xi32, #tpu.memory_space<hbm>>) dst(%arg12 : memref<128xi32, #tpu.memory_space<vmem>>)
        tpu.yield
      }) : () -> ()
      %dma_wait3A = arith.constant 0 : i32
      %dma_wait3A_69 = arith.constant 0 : i32
      %dma_wait3A_70 = tpu.memref_slice %arg2[%dma_wait3A, %dma_wait3A_69] : memref<10000x128xf32, #tpu.memory_space<hbm>> -> memref<10000x128xf32, #tpu.memory_space<hbm>>
      tpu.wait_indirect_dma semaphore(%arg17 : memref<!tpu.dma_semaphore, #tpu.memory_space<semaphore_mem>>) src(%dma_wait3A_70 : memref<10000x128xf32, #tpu.memory_space<hbm>>) dst(%arg13 : memref<128x128xf32, #tpu.memory_space<vmem>>)
      "tpu.region"() ({
        %run_scoped3A = tpu.sem_alloc : memref<!tpu.dma_semaphore, #tpu.memory_space<semaphore_mem>>
        %dma_start3A_77 = arith.constant 0 : i32
        %dma_start3A_78 = arith.constant 0 : i32
        %dma_start3A_79 = tpu.memref_slice %arg16[%dma_start3A_77, %dma_start3A_78] : memref<10112x128xf32, #tpu.memory_space<vmem_shared>> -> memref<10112x128xf32, #tpu.memory_space<vmem_shared>>
        tpu.enqueue_indirect_dma source(%arg13 : memref<128x128xf32, #tpu.memory_space<vmem>>) target(%dma_start3A_79 : memref<10112x128xf32, #tpu.memory_space<vmem_shared>>) offsets(%arg10 : memref<128xi32, #tpu.memory_space<vmem>>) semaphore(%run_scoped3A : memref<!tpu.dma_semaphore, #tpu.memory_space<semaphore_mem>>) {add = true}
        %dma_wait3A_80 = arith.constant 0 : i32
        %dma_wait3A_81 = arith.constant 0 : i32
        %dma_wait3A_82 = tpu.memref_slice %arg16[%dma_wait3A_80, %dma_wait3A_81] : memref<10112x128xf32, #tpu.memory_space<vmem_shared>> -> memref<10112x128xf32, #tpu.memory_space<vmem_shared>>
        tpu.wait_indirect_dma semaphore(%run_scoped3A : memref<!tpu.dma_semaphore, #tpu.memory_space<semaphore_mem>>) src(%arg13 : memref<128x128xf32, #tpu.memory_space<vmem>>) dst(%dma_wait3A_82 : memref<10112x128xf32, #tpu.memory_space<vmem_shared>>)
        tpu.yield
      }) : () -> ()
      %dma_wait3A_71 = arith.constant 0 : i32
      %dma_wait3A_72 = arith.constant 0 : i32
      %dma_wait3A_73 = tpu.memref_slice %arg2[%dma_wait3A_71, %dma_wait3A_72] : memref<10000x128xf32, #tpu.memory_space<hbm>> -> memref<10000x128xf32, #tpu.memory_space<hbm>>
      tpu.wait_indirect_dma semaphore(%arg18 : memref<!tpu.dma_semaphore, #tpu.memory_space<semaphore_mem>>) src(%dma_wait3A_73 : memref<10000x128xf32, #tpu.memory_space<hbm>>) dst(%arg14 : memref<128x128xf32, #tpu.memory_space<vmem>>)
      "tpu.region"() ({
        %run_scoped3A = tpu.sem_alloc : memref<!tpu.dma_semaphore, #tpu.memory_space<semaphore_mem>>
        %dma_start3A_77 = arith.constant 0 : i32
        %dma_start3A_78 = arith.constant 0 : i32
        %dma_start3A_79 = tpu.memref_slice %arg16[%dma_start3A_77, %dma_start3A_78] : memref<10112x128xf32, #tpu.memory_space<vmem_shared>> -> memref<10112x128xf32, #tpu.memory_space<vmem_shared>>
        tpu.enqueue_indirect_dma source(%arg14 : memref<128x128xf32, #tpu.memory_space<vmem>>) target(%dma_start3A_79 : memref<10112x128xf32, #tpu.memory_space<vmem_shared>>) offsets(%arg11 : memref<128xi32, #tpu.memory_space<vmem>>) semaphore(%run_scoped3A : memref<!tpu.dma_semaphore, #tpu.memory_space<semaphore_mem>>) {add = true}
        %dma_wait3A_80 = arith.constant 0 : i32
        %dma_wait3A_81 = arith.constant 0 : i32
        %dma_wait3A_82 = tpu.memref_slice %arg16[%dma_wait3A_80, %dma_wait3A_81] : memref<10112x128xf32, #tpu.memory_space<vmem_shared>> -> memref<10112x128xf32, #tpu.memory_space<vmem_shared>>
        tpu.wait_indirect_dma semaphore(%run_scoped3A : memref<!tpu.dma_semaphore, #tpu.memory_space<semaphore_mem>>) src(%arg14 : memref<128x128xf32, #tpu.memory_space<vmem>>) dst(%dma_wait3A_82 : memref<10112x128xf32, #tpu.memory_space<vmem_shared>>)
        tpu.yield
      }) : () -> ()
      %dma_wait3A_74 = arith.constant 0 : i32
      %dma_wait3A_75 = arith.constant 0 : i32
      %dma_wait3A_76 = tpu.memref_slice %arg2[%dma_wait3A_74, %dma_wait3A_75] : memref<10000x128xf32, #tpu.memory_space<hbm>> -> memref<10000x128xf32, #tpu.memory_space<hbm>>
      tpu.wait_indirect_dma semaphore(%arg19 : memref<!tpu.dma_semaphore, #tpu.memory_space<semaphore_mem>>) src(%dma_wait3A_76 : memref<10000x128xf32, #tpu.memory_space<hbm>>) dst(%arg15 : memref<128x128xf32, #tpu.memory_space<vmem>>)
      "tpu.region"() ({
        %run_scoped3A = tpu.sem_alloc : memref<!tpu.dma_semaphore, #tpu.memory_space<semaphore_mem>>
        %dma_start3A_77 = arith.constant 0 : i32
        %dma_start3A_78 = arith.constant 0 : i32
        %dma_start3A_79 = tpu.memref_slice %arg16[%dma_start3A_77, %dma_start3A_78] : memref<10112x128xf32, #tpu.memory_space<vmem_shared>> -> memref<10112x128xf32, #tpu.memory_space<vmem_shared>>
        tpu.enqueue_indirect_dma source(%arg15 : memref<128x128xf32, #tpu.memory_space<vmem>>) target(%dma_start3A_79 : memref<10112x128xf32, #tpu.memory_space<vmem_shared>>) offsets(%arg12 : memref<128xi32, #tpu.memory_space<vmem>>) semaphore(%run_scoped3A : memref<!tpu.dma_semaphore, #tpu.memory_space<semaphore_mem>>) {add = true}
        %dma_wait3A_80 = arith.constant 0 : i32
        %dma_wait3A_81 = arith.constant 0 : i32
        %dma_wait3A_82 = tpu.memref_slice %arg16[%dma_wait3A_80, %dma_wait3A_81] : memref<10112x128xf32, #tpu.memory_space<vmem_shared>> -> memref<10112x128xf32, #tpu.memory_space<vmem_shared>>
        tpu.wait_indirect_dma semaphore(%run_scoped3A : memref<!tpu.dma_semaphore, #tpu.memory_space<semaphore_mem>>) src(%arg15 : memref<128x128xf32, #tpu.memory_space<vmem>>) dst(%dma_wait3A_82 : memref<10112x128xf32, #tpu.memory_space<vmem_shared>>)
        tpu.yield
      }) : () -> ()
    }
    %while3A_40 = arith.constant 1 : i32
    scf.for %while3A_42 = %while3A_38 to %while3A_34 step %while3A_40  : i32 {
      %mul3A_43 = arith.constant 3 : i32
      %mul3A_44 = arith.muli %mul3A_43, %while3A_42 : i32
      %add3A_45 = arith.constant 0 : i32
      %add3A_46 = arith.addi %mul3A_44, %add3A_45 : i32
      %add3A_47 = arith.addi %select_n3A, %add3A_46 : i32
      "tpu.region"() ({
        %run_scoped3A = tpu.sem_alloc : memref<!tpu.dma_semaphore, #tpu.memory_space<semaphore_mem>>
        %dma_start3A_77 = arith.constant 0 : i32
        %dma_start3A_78 = tpu.memref_slice %arg3[%add3A_47, %dma_start3A_77] : memref<2544x128xi32, #tpu.memory_space<hbm>> -> memref<1x128xi32, #tpu.memory_space<hbm>>
        %dma_start3A_79 = tpu.memref_squeeze %dma_start3A_78 : memref<1x128xi32, #tpu.memory_space<hbm>> -> memref<128xi32, #tpu.memory_space<hbm>>
        %dma_start3A_80 = arith.constant 0 : i32
        %dma_start3A_81 = tpu.memref_slice %arg3[%add3A_47, %dma_start3A_80] : memref<2544x128xi32, #tpu.memory_space<hbm>> -> memref<1x128xi32, #tpu.memory_space<hbm>>
        %dma_start3A_82 = tpu.memref_squeeze %dma_start3A_81 : memref<1x128xi32, #tpu.memory_space<hbm>> -> memref<128xi32, #tpu.memory_space<hbm>>
        tpu.enqueue_dma source(%dma_start3A_82 : memref<128xi32, #tpu.memory_space<hbm>>) target(%arg7 : memref<128xi32, #tpu.memory_space<vmem>>) target_semaphore(%run_scoped3A : memref<!tpu.dma_semaphore, #tpu.memory_space<semaphore_mem>>)
        %dma_wait3A_83 = arith.constant 0 : i32
        %dma_wait3A_84 = tpu.memref_slice %arg3[%add3A_47, %dma_wait3A_83] : memref<2544x128xi32, #tpu.memory_space<hbm>> -> memref<1x128xi32, #tpu.memory_space<hbm>>
        %dma_wait3A_85 = tpu.memref_squeeze %dma_wait3A_84 : memref<1x128xi32, #tpu.memory_space<hbm>> -> memref<128xi32, #tpu.memory_space<hbm>>
        %dma_wait3A_86 = arith.constant 0 : i32
        %dma_wait3A_87 = tpu.memref_slice %arg3[%add3A_47, %dma_wait3A_86] : memref<2544x128xi32, #tpu.memory_space<hbm>> -> memref<1x128xi32, #tpu.memory_space<hbm>>
        %dma_wait3A_88 = tpu.memref_squeeze %dma_wait3A_87 : memref<1x128xi32, #tpu.memory_space<hbm>> -> memref<128xi32, #tpu.memory_space<hbm>>
        tpu.wait_dma2 semaphore(%run_scoped3A : memref<!tpu.dma_semaphore, #tpu.memory_space<semaphore_mem>>) src(%dma_wait3A_88 : memref<128xi32, #tpu.memory_space<hbm>>) dst(%arg7 : memref<128xi32, #tpu.memory_space<vmem>>)
        tpu.yield
      }) : () -> ()
      %dma_start3A = arith.constant 0 : i32
      %dma_start3A_48 = arith.constant 0 : i32
      %dma_start3A_49 = tpu.memref_slice %arg2[%dma_start3A, %dma_start3A_48] : memref<10000x128xf32, #tpu.memory_space<hbm>> -> memref<10000x128xf32, #tpu.memory_space<hbm>>
      tpu.enqueue_indirect_dma source(%dma_start3A_49 : memref<10000x128xf32, #tpu.memory_space<hbm>>) target(%arg13 : memref<128x128xf32, #tpu.memory_space<vmem>>) offsets(%arg7 : memref<128xi32, #tpu.memory_space<vmem>>) semaphore(%arg17 : memref<!tpu.dma_semaphore, #tpu.memory_space<semaphore_mem>>)
      %add3A_50 = arith.addi %select_n3A, %add3A_46 : i32
      "tpu.region"() ({
        %run_scoped3A = tpu.sem_alloc : memref<!tpu.dma_semaphore, #tpu.memory_space<semaphore_mem>>
        %dma_start3A_77 = arith.constant 0 : i32
        %dma_start3A_78 = tpu.memref_slice %arg4[%add3A_50, %dma_start3A_77] : memref<2544x128xi32, #tpu.memory_space<hbm>> -> memref<1x128xi32, #tpu.memory_space<hbm>>
        %dma_start3A_79 = tpu.memref_squeeze %dma_start3A_78 : memref<1x128xi32, #tpu.memory_space<hbm>> -> memref<128xi32, #tpu.memory_space<hbm>>
        %dma_start3A_80 = arith.constant 0 : i32
        %dma_start3A_81 = tpu.memref_slice %arg4[%add3A_50, %dma_start3A_80] : memref<2544x128xi32, #tpu.memory_space<hbm>> -> memref<1x128xi32, #tpu.memory_space<hbm>>
        %dma_start3A_82 = tpu.memref_squeeze %dma_start3A_81 : memref<1x128xi32, #tpu.memory_space<hbm>> -> memref<128xi32, #tpu.memory_space<hbm>>
        tpu.enqueue_dma source(%dma_start3A_82 : memref<128xi32, #tpu.memory_space<hbm>>) target(%arg10 : memref<128xi32, #tpu.memory_space<vmem>>) target_semaphore(%run_scoped3A : memref<!tpu.dma_semaphore, #tpu.memory_space<semaphore_mem>>)
        %dma_wait3A_83 = arith.constant 0 : i32
        %dma_wait3A_84 = tpu.memref_slice %arg4[%add3A_50, %dma_wait3A_83] : memref<2544x128xi32, #tpu.memory_space<hbm>> -> memref<1x128xi32, #tpu.memory_space<hbm>>
        %dma_wait3A_85 = tpu.memref_squeeze %dma_wait3A_84 : memref<1x128xi32, #tpu.memory_space<hbm>> -> memref<128xi32, #tpu.memory_space<hbm>>
        %dma_wait3A_86 = arith.constant 0 : i32
        %dma_wait3A_87 = tpu.memref_slice %arg4[%add3A_50, %dma_wait3A_86] : memref<2544x128xi32, #tpu.memory_space<hbm>> -> memref<1x128xi32, #tpu.memory_space<hbm>>
        %dma_wait3A_88 = tpu.memref_squeeze %dma_wait3A_87 : memref<1x128xi32, #tpu.memory_space<hbm>> -> memref<128xi32, #tpu.memory_space<hbm>>
        tpu.wait_dma2 semaphore(%run_scoped3A : memref<!tpu.dma_semaphore, #tpu.memory_space<semaphore_mem>>) src(%dma_wait3A_88 : memref<128xi32, #tpu.memory_space<hbm>>) dst(%arg10 : memref<128xi32, #tpu.memory_space<vmem>>)
        tpu.yield
      }) : () -> ()
      %mul3A_51 = arith.constant 3 : i32
      %mul3A_52 = arith.muli %mul3A_51, %while3A_42 : i32
      %add3A_53 = arith.constant 1 : i32
      %add3A_54 = arith.addi %mul3A_52, %add3A_53 : i32
      %add3A_55 = arith.addi %select_n3A, %add3A_54 : i32
      "tpu.region"() ({
        %run_scoped3A = tpu.sem_alloc : memref<!tpu.dma_semaphore, #tpu.memory_space<semaphore_mem>>
        %dma_start3A_77 = arith.constant 0 : i32
        %dma_start3A_78 = tpu.memref_slice %arg3[%add3A_55, %dma_start3A_77] : memref<2544x128xi32, #tpu.memory_space<hbm>> -> memref<1x128xi32, #tpu.memory_space<hbm>>
        %dma_start3A_79 = tpu.memref_squeeze %dma_start3A_78 : memref<1x128xi32, #tpu.memory_space<hbm>> -> memref<128xi32, #tpu.memory_space<hbm>>
        %dma_start3A_80 = arith.constant 0 : i32
        %dma_start3A_81 = tpu.memref_slice %arg3[%add3A_55, %dma_start3A_80] : memref<2544x128xi32, #tpu.memory_space<hbm>> -> memref<1x128xi32, #tpu.memory_space<hbm>>
        %dma_start3A_82 = tpu.memref_squeeze %dma_start3A_81 : memref<1x128xi32, #tpu.memory_space<hbm>> -> memref<128xi32, #tpu.memory_space<hbm>>
        tpu.enqueue_dma source(%dma_start3A_82 : memref<128xi32, #tpu.memory_space<hbm>>) target(%arg8 : memref<128xi32, #tpu.memory_space<vmem>>) target_semaphore(%run_scoped3A : memref<!tpu.dma_semaphore, #tpu.memory_space<semaphore_mem>>)
        %dma_wait3A_83 = arith.constant 0 : i32
        %dma_wait3A_84 = tpu.memref_slice %arg3[%add3A_55, %dma_wait3A_83] : memref<2544x128xi32, #tpu.memory_space<hbm>> -> memref<1x128xi32, #tpu.memory_space<hbm>>
        %dma_wait3A_85 = tpu.memref_squeeze %dma_wait3A_84 : memref<1x128xi32, #tpu.memory_space<hbm>> -> memref<128xi32, #tpu.memory_space<hbm>>
        %dma_wait3A_86 = arith.constant 0 : i32
        %dma_wait3A_87 = tpu.memref_slice %arg3[%add3A_55, %dma_wait3A_86] : memref<2544x128xi32, #tpu.memory_space<hbm>> -> memref<1x128xi32, #tpu.memory_space<hbm>>
        %dma_wait3A_88 = tpu.memref_squeeze %dma_wait3A_87 : memref<1x128xi32, #tpu.memory_space<hbm>> -> memref<128xi32, #tpu.memory_space<hbm>>
        tpu.wait_dma2 semaphore(%run_scoped3A : memref<!tpu.dma_semaphore, #tpu.memory_space<semaphore_mem>>) src(%dma_wait3A_88 : memref<128xi32, #tpu.memory_space<hbm>>) dst(%arg8 : memref<128xi32, #tpu.memory_space<vmem>>)
        tpu.yield
      }) : () -> ()
      %dma_start3A_56 = arith.constant 0 : i32
      %dma_start3A_57 = arith.constant 0 : i32
      %dma_start3A_58 = tpu.memref_slice %arg2[%dma_start3A_56, %dma_start3A_57] : memref<10000x128xf32, #tpu.memory_space<hbm>> -> memref<10000x128xf32, #tpu.memory_space<hbm>>
      tpu.enqueue_indirect_dma source(%dma_start3A_58 : memref<10000x128xf32, #tpu.memory_space<hbm>>) target(%arg14 : memref<128x128xf32, #tpu.memory_space<vmem>>) offsets(%arg8 : memref<128xi32, #tpu.memory_space<vmem>>) semaphore(%arg18 : memref<!tpu.dma_semaphore, #tpu.memory_space<semaphore_mem>>)
      %add3A_59 = arith.addi %select_n3A, %add3A_54 : i32
      "tpu.region"() ({
        %run_scoped3A = tpu.sem_alloc : memref<!tpu.dma_semaphore, #tpu.memory_space<semaphore_mem>>
        %dma_start3A_77 = arith.constant 0 : i32
        %dma_start3A_78 = tpu.memref_slice %arg4[%add3A_59, %dma_start3A_77] : memref<2544x128xi32, #tpu.memory_space<hbm>> -> memref<1x128xi32, #tpu.memory_space<hbm>>
        %dma_start3A_79 = tpu.memref_squeeze %dma_start3A_78 : memref<1x128xi32, #tpu.memory_space<hbm>> -> memref<128xi32, #tpu.memory_space<hbm>>
        %dma_start3A_80 = arith.constant 0 : i32
        %dma_start3A_81 = tpu.memref_slice %arg4[%add3A_59, %dma_start3A_80] : memref<2544x128xi32, #tpu.memory_space<hbm>> -> memref<1x128xi32, #tpu.memory_space<hbm>>
        %dma_start3A_82 = tpu.memref_squeeze %dma_start3A_81 : memref<1x128xi32, #tpu.memory_space<hbm>> -> memref<128xi32, #tpu.memory_space<hbm>>
        tpu.enqueue_dma source(%dma_start3A_82 : memref<128xi32, #tpu.memory_space<hbm>>) target(%arg11 : memref<128xi32, #tpu.memory_space<vmem>>) target_semaphore(%run_scoped3A : memref<!tpu.dma_semaphore, #tpu.memory_space<semaphore_mem>>)
        %dma_wait3A_83 = arith.constant 0 : i32
        %dma_wait3A_84 = tpu.memref_slice %arg4[%add3A_59, %dma_wait3A_83] : memref<2544x128xi32, #tpu.memory_space<hbm>> -> memref<1x128xi32, #tpu.memory_space<hbm>>
        %dma_wait3A_85 = tpu.memref_squeeze %dma_wait3A_84 : memref<1x128xi32, #tpu.memory_space<hbm>> -> memref<128xi32, #tpu.memory_space<hbm>>
        %dma_wait3A_86 = arith.constant 0 : i32
        %dma_wait3A_87 = tpu.memref_slice %arg4[%add3A_59, %dma_wait3A_86] : memref<2544x128xi32, #tpu.memory_space<hbm>> -> memref<1x128xi32, #tpu.memory_space<hbm>>
        %dma_wait3A_88 = tpu.memref_squeeze %dma_wait3A_87 : memref<1x128xi32, #tpu.memory_space<hbm>> -> memref<128xi32, #tpu.memory_space<hbm>>
        tpu.wait_dma2 semaphore(%run_scoped3A : memref<!tpu.dma_semaphore, #tpu.memory_space<semaphore_mem>>) src(%dma_wait3A_88 : memref<128xi32, #tpu.memory_space<hbm>>) dst(%arg11 : memref<128xi32, #tpu.memory_space<vmem>>)
        tpu.yield
      }) : () -> ()
      %mul3A_60 = arith.constant 3 : i32
      %mul3A_61 = arith.muli %mul3A_60, %while3A_42 : i32
      %add3A_62 = arith.constant 2 : i32
      %add3A_63 = arith.addi %mul3A_61, %add3A_62 : i32
      %add3A_64 = arith.addi %select_n3A, %add3A_63 : i32
      "tpu.region"() ({
        %run_scoped3A = tpu.sem_alloc : memref<!tpu.dma_semaphore, #tpu.memory_space<semaphore_mem>>
        %dma_start3A_77 = arith.constant 0 : i32
        %dma_start3A_78 = tpu.memref_slice %arg3[%add3A_64, %dma_start3A_77] : memref<2544x128xi32, #tpu.memory_space<hbm>> -> memref<1x128xi32, #tpu.memory_space<hbm>>
        %dma_start3A_79 = tpu.memref_squeeze %dma_start3A_78 : memref<1x128xi32, #tpu.memory_space<hbm>> -> memref<128xi32, #tpu.memory_space<hbm>>
        %dma_start3A_80 = arith.constant 0 : i32
        %dma_start3A_81 = tpu.memref_slice %arg3[%add3A_64, %dma_start3A_80] : memref<2544x128xi32, #tpu.memory_space<hbm>> -> memref<1x128xi32, #tpu.memory_space<hbm>>
        %dma_start3A_82 = tpu.memref_squeeze %dma_start3A_81 : memref<1x128xi32, #tpu.memory_space<hbm>> -> memref<128xi32, #tpu.memory_space<hbm>>
        tpu.enqueue_dma source(%dma_start3A_82 : memref<128xi32, #tpu.memory_space<hbm>>) target(%arg9 : memref<128xi32, #tpu.memory_space<vmem>>) target_semaphore(%run_scoped3A : memref<!tpu.dma_semaphore, #tpu.memory_space<semaphore_mem>>)
        %dma_wait3A_83 = arith.constant 0 : i32
        %dma_wait3A_84 = tpu.memref_slice %arg3[%add3A_64, %dma_wait3A_83] : memref<2544x128xi32, #tpu.memory_space<hbm>> -> memref<1x128xi32, #tpu.memory_space<hbm>>
        %dma_wait3A_85 = tpu.memref_squeeze %dma_wait3A_84 : memref<1x128xi32, #tpu.memory_space<hbm>> -> memref<128xi32, #tpu.memory_space<hbm>>
        %dma_wait3A_86 = arith.constant 0 : i32
        %dma_wait3A_87 = tpu.memref_slice %arg3[%add3A_64, %dma_wait3A_86] : memref<2544x128xi32, #tpu.memory_space<hbm>> -> memref<1x128xi32, #tpu.memory_space<hbm>>
        %dma_wait3A_88 = tpu.memref_squeeze %dma_wait3A_87 : memref<1x128xi32, #tpu.memory_space<hbm>> -> memref<128xi32, #tpu.memory_space<hbm>>
        tpu.wait_dma2 semaphore(%run_scoped3A : memref<!tpu.dma_semaphore, #tpu.memory_space<semaphore_mem>>) src(%dma_wait3A_88 : memref<128xi32, #tpu.memory_space<hbm>>) dst(%arg9 : memref<128xi32, #tpu.memory_space<vmem>>)
        tpu.yield
      }) : () -> ()
      %dma_start3A_65 = arith.constant 0 : i32
      %dma_start3A_66 = arith.constant 0 : i32
      %dma_start3A_67 = tpu.memref_slice %arg2[%dma_start3A_65, %dma_start3A_66] : memref<10000x128xf32, #tpu.memory_space<hbm>> -> memref<10000x128xf32, #tpu.memory_space<hbm>>
      tpu.enqueue_indirect_dma source(%dma_start3A_67 : memref<10000x128xf32, #tpu.memory_space<hbm>>) target(%arg15 : memref<128x128xf32, #tpu.memory_space<vmem>>) offsets(%arg9 : memref<128xi32, #tpu.memory_space<vmem>>) semaphore(%arg19 : memref<!tpu.dma_semaphore, #tpu.memory_space<semaphore_mem>>)
      %add3A_68 = arith.addi %select_n3A, %add3A_63 : i32
      "tpu.region"() ({
        %run_scoped3A = tpu.sem_alloc : memref<!tpu.dma_semaphore, #tpu.memory_space<semaphore_mem>>
        %dma_start3A_77 = arith.constant 0 : i32
        %dma_start3A_78 = tpu.memref_slice %arg4[%add3A_68, %dma_start3A_77] : memref<2544x128xi32, #tpu.memory_space<hbm>> -> memref<1x128xi32, #tpu.memory_space<hbm>>
        %dma_start3A_79 = tpu.memref_squeeze %dma_start3A_78 : memref<1x128xi32, #tpu.memory_space<hbm>> -> memref<128xi32, #tpu.memory_space<hbm>>
        %dma_start3A_80 = arith.constant 0 : i32
        %dma_start3A_81 = tpu.memref_slice %arg4[%add3A_68, %dma_start3A_80] : memref<2544x128xi32, #tpu.memory_space<hbm>> -> memref<1x128xi32, #tpu.memory_space<hbm>>
        %dma_start3A_82 = tpu.memref_squeeze %dma_start3A_81 : memref<1x128xi32, #tpu.memory_space<hbm>> -> memref<128xi32, #tpu.memory_space<hbm>>
        tpu.enqueue_dma source(%dma_start3A_82 : memref<128xi32, #tpu.memory_space<hbm>>) target(%arg12 : memref<128xi32, #tpu.memory_space<vmem>>) target_semaphore(%run_scoped3A : memref<!tpu.dma_semaphore, #tpu.memory_space<semaphore_mem>>)
        %dma_wait3A_83 = arith.constant 0 : i32
        %dma_wait3A_84 = tpu.memref_slice %arg4[%add3A_68, %dma_wait3A_83] : memref<2544x128xi32, #tpu.memory_space<hbm>> -> memref<1x128xi32, #tpu.memory_space<hbm>>
        %dma_wait3A_85 = tpu.memref_squeeze %dma_wait3A_84 : memref<1x128xi32, #tpu.memory_space<hbm>> -> memref<128xi32, #tpu.memory_space<hbm>>
        %dma_wait3A_86 = arith.constant 0 : i32
        %dma_wait3A_87 = tpu.memref_slice %arg4[%add3A_68, %dma_wait3A_86] : memref<2544x128xi32, #tpu.memory_space<hbm>> -> memref<1x128xi32, #tpu.memory_space<hbm>>
        %dma_wait3A_88 = tpu.memref_squeeze %dma_wait3A_87 : memref<1x128xi32, #tpu.memory_space<hbm>> -> memref<128xi32, #tpu.memory_space<hbm>>
        tpu.wait_dma2 semaphore(%run_scoped3A : memref<!tpu.dma_semaphore, #tpu.memory_space<semaphore_mem>>) src(%dma_wait3A_88 : memref<128xi32, #tpu.memory_space<hbm>>) dst(%arg12 : memref<128xi32, #tpu.memory_space<vmem>>)
        tpu.yield
      }) : () -> ()
      %dma_wait3A = arith.constant 0 : i32
      %dma_wait3A_69 = arith.constant 0 : i32
      %dma_wait3A_70 = tpu.memref_slice %arg2[%dma_wait3A, %dma_wait3A_69] : memref<10000x128xf32, #tpu.memory_space<hbm>> -> memref<10000x128xf32, #tpu.memory_space<hbm>>
      tpu.wait_indirect_dma semaphore(%arg17 : memref<!tpu.dma_semaphore, #tpu.memory_space<semaphore_mem>>) src(%dma_wait3A_70 : memref<10000x128xf32, #tpu.memory_space<hbm>>) dst(%arg13 : memref<128x128xf32, #tpu.memory_space<vmem>>)
      "tpu.region"() ({
        %run_scoped3A = tpu.sem_alloc : memref<!tpu.dma_semaphore, #tpu.memory_space<semaphore_mem>>
        %dma_start3A_77 = arith.constant 0 : i32
        %dma_start3A_78 = arith.constant 0 : i32
        %dma_start3A_79 = tpu.memref_slice %arg16[%dma_start3A_77, %dma_start3A_78] : memref<10112x128xf32, #tpu.memory_space<vmem_shared>> -> memref<10112x128xf32, #tpu.memory_space<vmem_shared>>
        tpu.enqueue_indirect_dma source(%arg13 : memref<128x128xf32, #tpu.memory_space<vmem>>) target(%dma_start3A_79 : memref<10112x128xf32, #tpu.memory_space<vmem_shared>>) offsets(%arg10 : memref<128xi32, #tpu.memory_space<vmem>>) semaphore(%run_scoped3A : memref<!tpu.dma_semaphore, #tpu.memory_space<semaphore_mem>>) {add = true}
        %dma_wait3A_80 = arith.constant 0 : i32
        %dma_wait3A_81 = arith.constant 0 : i32
        %dma_wait3A_82 = tpu.memref_slice %arg16[%dma_wait3A_80, %dma_wait3A_81] : memref<10112x128xf32, #tpu.memory_space<vmem_shared>> -> memref<10112x128xf32, #tpu.memory_space<vmem_shared>>
        tpu.wait_indirect_dma semaphore(%run_scoped3A : memref<!tpu.dma_semaphore, #tpu.memory_space<semaphore_mem>>) src(%arg13 : memref<128x128xf32, #tpu.memory_space<vmem>>) dst(%dma_wait3A_82 : memref<10112x128xf32, #tpu.memory_space<vmem_shared>>)
        tpu.yield
      }) : () -> ()
      %dma_wait3A_71 = arith.constant 0 : i32
      %dma_wait3A_72 = arith.constant 0 : i32
      %dma_wait3A_73 = tpu.memref_slice %arg2[%dma_wait3A_71, %dma_wait3A_72] : memref<10000x128xf32, #tpu.memory_space<hbm>> -> memref<10000x128xf32, #tpu.memory_space<hbm>>
      tpu.wait_indirect_dma semaphore(%arg18 : memref<!tpu.dma_semaphore, #tpu.memory_space<semaphore_mem>>) src(%dma_wait3A_73 : memref<10000x128xf32, #tpu.memory_space<hbm>>) dst(%arg14 : memref<128x128xf32, #tpu.memory_space<vmem>>)
      "tpu.region"() ({
        %run_scoped3A = tpu.sem_alloc : memref<!tpu.dma_semaphore, #tpu.memory_space<semaphore_mem>>
        %dma_start3A_77 = arith.constant 0 : i32
        %dma_start3A_78 = arith.constant 0 : i32
        %dma_start3A_79 = tpu.memref_slice %arg16[%dma_start3A_77, %dma_start3A_78] : memref<10112x128xf32, #tpu.memory_space<vmem_shared>> -> memref<10112x128xf32, #tpu.memory_space<vmem_shared>>
        tpu.enqueue_indirect_dma source(%arg14 : memref<128x128xf32, #tpu.memory_space<vmem>>) target(%dma_start3A_79 : memref<10112x128xf32, #tpu.memory_space<vmem_shared>>) offsets(%arg11 : memref<128xi32, #tpu.memory_space<vmem>>) semaphore(%run_scoped3A : memref<!tpu.dma_semaphore, #tpu.memory_space<semaphore_mem>>) {add = true}
        %dma_wait3A_80 = arith.constant 0 : i32
        %dma_wait3A_81 = arith.constant 0 : i32
        %dma_wait3A_82 = tpu.memref_slice %arg16[%dma_wait3A_80, %dma_wait3A_81] : memref<10112x128xf32, #tpu.memory_space<vmem_shared>> -> memref<10112x128xf32, #tpu.memory_space<vmem_shared>>
        tpu.wait_indirect_dma semaphore(%run_scoped3A : memref<!tpu.dma_semaphore, #tpu.memory_space<semaphore_mem>>) src(%arg14 : memref<128x128xf32, #tpu.memory_space<vmem>>) dst(%dma_wait3A_82 : memref<10112x128xf32, #tpu.memory_space<vmem_shared>>)
        tpu.yield
      }) : () -> ()
      %dma_wait3A_74 = arith.constant 0 : i32
      %dma_wait3A_75 = arith.constant 0 : i32
      %dma_wait3A_76 = tpu.memref_slice %arg2[%dma_wait3A_74, %dma_wait3A_75] : memref<10000x128xf32, #tpu.memory_space<hbm>> -> memref<10000x128xf32, #tpu.memory_space<hbm>>
      tpu.wait_indirect_dma semaphore(%arg19 : memref<!tpu.dma_semaphore, #tpu.memory_space<semaphore_mem>>) src(%dma_wait3A_76 : memref<10000x128xf32, #tpu.memory_space<hbm>>) dst(%arg15 : memref<128x128xf32, #tpu.memory_space<vmem>>)
      "tpu.region"() ({
        %run_scoped3A = tpu.sem_alloc : memref<!tpu.dma_semaphore, #tpu.memory_space<semaphore_mem>>
        %dma_start3A_77 = arith.constant 0 : i32
        %dma_start3A_78 = arith.constant 0 : i32
        %dma_start3A_79 = tpu.memref_slice %arg16[%dma_start3A_77, %dma_start3A_78] : memref<10112x128xf32, #tpu.memory_space<vmem_shared>> -> memref<10112x128xf32, #tpu.memory_space<vmem_shared>>
        tpu.enqueue_indirect_dma source(%arg15 : memref<128x128xf32, #tpu.memory_space<vmem>>) target(%dma_start3A_79 : memref<10112x128xf32, #tpu.memory_space<vmem_shared>>) offsets(%arg12 : memref<128xi32, #tpu.memory_space<vmem>>) semaphore(%run_scoped3A : memref<!tpu.dma_semaphore, #tpu.memory_space<semaphore_mem>>) {add = true}
        %dma_wait3A_80 = arith.constant 0 : i32
        %dma_wait3A_81 = arith.constant 0 : i32
        %dma_wait3A_82 = tpu.memref_slice %arg16[%dma_wait3A_80, %dma_wait3A_81] : memref<10112x128xf32, #tpu.memory_space<vmem_shared>> -> memref<10112x128xf32, #tpu.memory_space<vmem_shared>>
        tpu.wait_indirect_dma semaphore(%run_scoped3A : memref<!tpu.dma_semaphore, #tpu.memory_space<semaphore_mem>>) src(%arg15 : memref<128x128xf32, #tpu.memory_space<vmem>>) dst(%dma_wait3A_82 : memref<10112x128xf32, #tpu.memory_space<vmem_shared>>)
        tpu.yield
      }) : () -> ()
    }
    %barrier3A_41 = arith.constant 0 : index
    tpu.barrier barrier_id(%barrier3A_41)
    "tpu.region"() ({
      %run_scoped3A = tpu.sem_alloc : memref<!tpu.dma_semaphore, #tpu.memory_space<semaphore_mem>>
      %dma_start3A = arith.constant 0 : i32
      %dma_start3A_42 = tpu.memref_slice %arg6[%arg0, %multiple_of3A, %dma_start3A] : memref<2x10112x128xf32, #tpu.memory_space<hbm>> -> memref<1x632x128xf32, #tpu.memory_space<hbm>>
      %dma_start3A_43 = tpu.memref_squeeze %dma_start3A_42 : memref<1x632x128xf32, #tpu.memory_space<hbm>> -> memref<632x128xf32, #tpu.memory_space<hbm>>
      %dma_start3A_44 = arith.constant 0 : i32
      %dma_start3A_45 = tpu.memref_slice %arg16[%multiple_of3A, %dma_start3A_44] : memref<10112x128xf32, #tpu.memory_space<vmem_shared>> -> memref<632x128xf32, #tpu.memory_space<vmem_shared>>
      tpu.enqueue_dma source(%dma_start3A_45 : memref<632x128xf32, #tpu.memory_space<vmem_shared>>) target(%dma_start3A_43 : memref<632x128xf32, #tpu.memory_space<hbm>>) target_semaphore(%run_scoped3A : memref<!tpu.dma_semaphore, #tpu.memory_space<semaphore_mem>>)
      %dma_wait3A = arith.constant 0 : i32
      %dma_wait3A_46 = tpu.memref_slice %arg6[%arg0, %multiple_of3A, %dma_wait3A] : memref<2x10112x128xf32, #tpu.memory_space<hbm>> -> memref<1x632x128xf32, #tpu.memory_space<hbm>>
      %dma_wait3A_47 = tpu.memref_squeeze %dma_wait3A_46 : memref<1x632x128xf32, #tpu.memory_space<hbm>> -> memref<632x128xf32, #tpu.memory_space<hbm>>
      %dma_wait3A_48 = arith.constant 0 : i32
      %dma_wait3A_49 = tpu.memref_slice %arg16[%multiple_of3A, %dma_wait3A_48] : memref<10112x128xf32, #tpu.memory_space<vmem_shared>> -> memref<632x128xf32, #tpu.memory_space<vmem_shared>>
      tpu.wait_dma2 semaphore(%run_scoped3A : memref<!tpu.dma_semaphore, #tpu.memory_space<semaphore_mem>>) src(%dma_wait3A_49 : memref<632x128xf32, #tpu.memory_space<vmem_shared>>) dst(%dma_wait3A_47 : memref<632x128xf32, #tpu.memory_space<hbm>>)
      tpu.yield
    }) : () -> ()
    return
  }
}

#map = affine_map<(d0, d1) -> (0, 0)>
#map1 = affine_map<(d0, d1) -> (0, 0, 0)>
module attributes {stable_mosaic.version = 14 : i64} {
  func.func @agg_kernel(%arg0: i32, %arg1: i32, %arg2: memref<10000x128xf32, #tpu.memory_space<hbm>>, %arg3: memref<2544x128xi32, #tpu.memory_space<hbm>>, %arg4: memref<2544x128xi32, #tpu.memory_space<hbm>>, %arg5: memref<10112x128xf32, #tpu.memory_space<hbm>>, %arg6: memref<2x10112x128xf32, #tpu.memory_space<hbm>>, %arg7: memref<128xi32, #tpu.memory_space<vmem>>, %arg8: memref<128xi32, #tpu.memory_space<vmem>>, %arg9: memref<128xi32, #tpu.memory_space<vmem>>, %arg10: memref<128xi32, #tpu.memory_space<vmem>>, %arg11: memref<128xi32, #tpu.memory_space<vmem>>, %arg12: memref<128xi32, #tpu.memory_space<vmem>>, %arg13: memref<128x128xf32, #tpu.memory_space<vmem>>, %arg14: memref<128x128xf32, #tpu.memory_space<vmem>>, %arg15: memref<128x128xf32, #tpu.memory_space<vmem>>, %arg16: memref<10112x128xf32, #tpu.memory_space<vmem_shared>>, %arg17: memref<!tpu.dma_semaphore, #tpu.memory_space<semaphore_mem>>, %arg18: memref<!tpu.dma_semaphore, #tpu.memory_space<semaphore_mem>>, %arg19: memref<!tpu.dma_semaphore, #tpu.memory_space<semaphore_mem>>) attributes {dimension_semantics = [#tpu.dimension_semantics<core_parallel>, #tpu.dimension_semantics<subcore_parallel>], iteration_bounds = array<i64: 2, 16>, scalar_prefetch = 0 : i64, scratch_operands = 13 : i64, tpu.core_type = #tpu.core_type<sc_vector_subcore>, window_params = [{transform_indices = #map}, {transform_indices = #map}, {transform_indices = #map}, {transform_indices = #map}, {transform_indices = #map1}]} {
    %mul3A = arith.constant 2 : i32
    %mul3A_0 = arith.muli %arg1, %mul3A : i32
    %add3A = arith.addi %mul3A_0, %arg0 : i32
    %mul3A_1 = arith.constant 632 : i32
    %mul3A_2 = arith.muli %arg1, %mul3A_1 : i32
    %multiple_of3A = tpu.assume_multiple %mul3A_2, 8 : i32
    "tpu.region"() ({
      %run_scoped3A = tpu.sem_alloc : memref<!tpu.dma_semaphore, #tpu.memory_space<semaphore_mem>>
      %dma_start3A = arith.constant 0 : i32
      %dma_start3A_42 = tpu.memref_slice %arg16[%multiple_of3A, %dma_start3A] : memref<10112x128xf32, #tpu.memory_space<vmem_shared>> -> memref<632x128xf32, #tpu.memory_space<vmem_shared>>
      %dma_start3A_43 = arith.constant 0 : i32
      %dma_start3A_44 = tpu.memref_slice %arg5[%multiple_of3A, %dma_start3A_43] : memref<10112x128xf32, #tpu.memory_space<hbm>> -> memref<632x128xf32, #tpu.memory_space<hbm>>
      tpu.enqueue_dma source(%dma_start3A_44 : memref<632x128xf32, #tpu.memory_space<hbm>>) target(%dma_start3A_42 : memref<632x128xf32, #tpu.memory_space<vmem_shared>>) target_semaphore(%run_scoped3A : memref<!tpu.dma_semaphore, #tpu.memory_space<semaphore_mem>>)
      %dma_wait3A = arith.constant 0 : i32
      %dma_wait3A_45 = tpu.memref_slice %arg16[%multiple_of3A, %dma_wait3A] : memref<10112x128xf32, #tpu.memory_space<vmem_shared>> -> memref<632x128xf32, #tpu.memory_space<vmem_shared>>
      %dma_wait3A_46 = arith.constant 0 : i32
      %dma_wait3A_47 = tpu.memref_slice %arg5[%multiple_of3A, %dma_wait3A_46] : memref<10112x128xf32, #tpu.memory_space<hbm>> -> memref<632x128xf32, #tpu.memory_space<hbm>>
      tpu.wait_dma2 semaphore(%run_scoped3A : memref<!tpu.dma_semaphore, #tpu.memory_space<semaphore_mem>>) src(%dma_wait3A_47 : memref<632x128xf32, #tpu.memory_space<hbm>>) dst(%dma_wait3A_45 : memref<632x128xf32, #tpu.memory_space<vmem_shared>>)
      tpu.yield
    }) : () -> ()
    %barrier3A = arith.constant 0 : index
    tpu.barrier barrier_id(%barrier3A)
    %eq3A = arith.constant 0 : i32
    %eq3A_3 = arith.cmpi eq, %arg0, %eq3A : i32
    %mul3A_4 = arith.constant 105 : i32
    %mul3A_5 = arith.muli %arg1, %mul3A_4 : i32
    %mul3A_6 = arith.constant 54 : i32
    %mul3A_7 = arith.muli %arg1, %mul3A_6 : i32
    %add3A_8 = arith.constant 1680 : i32
    %add3A_9 = arith.addi %add3A_8, %mul3A_7 : i32
    %select_n3A = arith.select %eq3A_3, %mul3A_5, %add3A_9 : i32
    %eq3A_10 = arith.constant 0 : i32
    %eq3A_11 = arith.cmpi eq, %arg0, %eq3A_10 : i32
    %jit3A = arith.constant 105 : i32
    %jit3A_12 = arith.constant 54 : i32
    %select_n3A_13 = arith.select %eq3A_11, %jit3A, %jit3A_12 : i32
    %jit3A_14 = arith.constant 3 : i32
    %div3A = arith.divsi %select_n3A_13, %jit3A_14 : i32
    %sign3A = arith.constant 0 : i32
    %sign3A_15 = arith.cmpi sgt, %select_n3A_13, %sign3A : i32
    %sign3A_16 = arith.extui %sign3A_15 : i1 to i32
    %sign3A_17 = arith.constant 0 : i32
    %sign3A_18 = arith.cmpi slt, %select_n3A_13, %sign3A_17 : i32
    %sign3A_19 = arith.extui %sign3A_18 : i1 to i32
    %sign3A_20 = arith.subi %sign3A_16, %sign3A_19 : i32
    %sign3A_21 = arith.constant 0 : i32
    %sign3A_22 = arith.cmpi sgt, %jit3A_14, %sign3A_21 : i32
    %sign3A_23 = arith.extui %sign3A_22 : i1 to i32
    %sign3A_24 = arith.constant 0 : i32
    %sign3A_25 = arith.cmpi slt, %jit3A_14, %sign3A_24 : i32
    %sign3A_26 = arith.extui %sign3A_25 : i1 to i32
    %sign3A_27 = arith.subi %sign3A_23, %sign3A_26 : i32
    %ne3A = arith.cmpi ne, %sign3A_20, %sign3A_27 : i32
    %rem3A = arith.remsi %select_n3A_13, %jit3A_14 : i32
    %ne3A_28 = arith.constant 0 : i32
    %ne3A_29 = arith.cmpi ne, %rem3A, %ne3A_28 : i32
    %and3A = arith.andi %ne3A, %ne3A_29 : i1
    %sub3A = arith.constant 1 : i32
    %sub3A_30 = arith.subi %div3A, %sub3A : i32
    %select_n3A_31 = arith.select %and3A, %sub3A_30, %div3A : i32
    %while3A = arith.constant 0 : i32
    %while3A_32 = arith.constant 0 : i32
    %while3A_33 = arith.subi %select_n3A_31, %while3A_32 : i32
    %while3A_34 = arith.addi %while3A_32, %while3A_33 : i32
    %while3A_35 = arith.constant 1 : i32
    %while3A_36 = arith.divsi %while3A_33, %while3A_35 : i32
    %while3A_37 = arith.muli %while3A_36, %while3A_35 : i32
    %while3A_38 = arith.addi %while3A_32, %while3A_37 : i32
    %while3A_39 = arith.constant 1 : i32
    scf.for %while3A_42 = %while3A_32 to %while3A_38 step %while3A_39  : i32 {
      %mul3A_43 = arith.constant 3 : i32
      %mul3A_44 = arith.muli %mul3A_43, %while3A_42 : i32
      %add3A_45 = arith.constant 0 : i32
      %add3A_46 = arith.addi %mul3A_44, %add3A_45 : i32
      %add3A_47 = arith.addi %select_n3A, %add3A_46 : i32
      "tpu.region"() ({
        %run_scoped3A = tpu.sem_alloc : memref<!tpu.dma_semaphore, #tpu.memory_space<semaphore_mem>>
        %dma_start3A_77 = arith.constant 0 : i32
        %dma_start3A_78 = tpu.memref_slice %arg3[%add3A_47, %dma_start3A_77] : memref<2544x128xi32, #tpu.memory_space<hbm>> -> memref<1x128xi32, #tpu.memory_space<hbm>>
        %dma_start3A_79 = tpu.memref_squeeze %dma_start3A_78 : memref<1x128xi32, #tpu.memory_space<hbm>> -> memref<128xi32, #tpu.memory_space<hbm>>
        %dma_start3A_80 = arith.constant 0 : i32
        %dma_start3A_81 = tpu.memref_slice %arg3[%add3A_47, %dma_start3A_80] : memref<2544x128xi32, #tpu.memory_space<hbm>> -> memref<1x128xi32, #tpu.memory_space<hbm>>
        %dma_start3A_82 = tpu.memref_squeeze %dma_start3A_81 : memref<1x128xi32, #tpu.memory_space<hbm>> -> memref<128xi32, #tpu.memory_space<hbm>>
        tpu.enqueue_dma source(%dma_start3A_82 : memref<128xi32, #tpu.memory_space<hbm>>) target(%arg7 : memref<128xi32, #tpu.memory_space<vmem>>) target_semaphore(%run_scoped3A : memref<!tpu.dma_semaphore, #tpu.memory_space<semaphore_mem>>)
        %dma_wait3A_83 = arith.constant 0 : i32
        %dma_wait3A_84 = tpu.memref_slice %arg3[%add3A_47, %dma_wait3A_83] : memref<2544x128xi32, #tpu.memory_space<hbm>> -> memref<1x128xi32, #tpu.memory_space<hbm>>
        %dma_wait3A_85 = tpu.memref_squeeze %dma_wait3A_84 : memref<1x128xi32, #tpu.memory_space<hbm>> -> memref<128xi32, #tpu.memory_space<hbm>>
        %dma_wait3A_86 = arith.constant 0 : i32
        %dma_wait3A_87 = tpu.memref_slice %arg3[%add3A_47, %dma_wait3A_86] : memref<2544x128xi32, #tpu.memory_space<hbm>> -> memref<1x128xi32, #tpu.memory_space<hbm>>
        %dma_wait3A_88 = tpu.memref_squeeze %dma_wait3A_87 : memref<1x128xi32, #tpu.memory_space<hbm>> -> memref<128xi32, #tpu.memory_space<hbm>>
        tpu.wait_dma2 semaphore(%run_scoped3A : memref<!tpu.dma_semaphore, #tpu.memory_space<semaphore_mem>>) src(%dma_wait3A_88 : memref<128xi32, #tpu.memory_space<hbm>>) dst(%arg7 : memref<128xi32, #tpu.memory_space<vmem>>)
        tpu.yield
      }) : () -> ()
      %dma_start3A = arith.constant 0 : i32
      %dma_start3A_48 = arith.constant 0 : i32
      %dma_start3A_49 = tpu.memref_slice %arg2[%dma_start3A, %dma_start3A_48] : memref<10000x128xf32, #tpu.memory_space<hbm>> -> memref<10000x128xf32, #tpu.memory_space<hbm>>
      tpu.enqueue_indirect_dma source(%dma_start3A_49 : memref<10000x128xf32, #tpu.memory_space<hbm>>) target(%arg13 : memref<128x128xf32, #tpu.memory_space<vmem>>) offsets(%arg7 : memref<128xi32, #tpu.memory_space<vmem>>) semaphore(%arg17 : memref<!tpu.dma_semaphore, #tpu.memory_space<semaphore_mem>>)
      %add3A_50 = arith.addi %select_n3A, %add3A_46 : i32
      "tpu.region"() ({
        %run_scoped3A = tpu.sem_alloc : memref<!tpu.dma_semaphore, #tpu.memory_space<semaphore_mem>>
        %dma_start3A_77 = arith.constant 0 : i32
        %dma_start3A_78 = tpu.memref_slice %arg4[%add3A_50, %dma_start3A_77] : memref<2544x128xi32, #tpu.memory_space<hbm>> -> memref<1x128xi32, #tpu.memory_space<hbm>>
        %dma_start3A_79 = tpu.memref_squeeze %dma_start3A_78 : memref<1x128xi32, #tpu.memory_space<hbm>> -> memref<128xi32, #tpu.memory_space<hbm>>
        %dma_start3A_80 = arith.constant 0 : i32
        %dma_start3A_81 = tpu.memref_slice %arg4[%add3A_50, %dma_start3A_80] : memref<2544x128xi32, #tpu.memory_space<hbm>> -> memref<1x128xi32, #tpu.memory_space<hbm>>
        %dma_start3A_82 = tpu.memref_squeeze %dma_start3A_81 : memref<1x128xi32, #tpu.memory_space<hbm>> -> memref<128xi32, #tpu.memory_space<hbm>>
        tpu.enqueue_dma source(%dma_start3A_82 : memref<128xi32, #tpu.memory_space<hbm>>) target(%arg10 : memref<128xi32, #tpu.memory_space<vmem>>) target_semaphore(%run_scoped3A : memref<!tpu.dma_semaphore, #tpu.memory_space<semaphore_mem>>)
        %dma_wait3A_83 = arith.constant 0 : i32
        %dma_wait3A_84 = tpu.memref_slice %arg4[%add3A_50, %dma_wait3A_83] : memref<2544x128xi32, #tpu.memory_space<hbm>> -> memref<1x128xi32, #tpu.memory_space<hbm>>
        %dma_wait3A_85 = tpu.memref_squeeze %dma_wait3A_84 : memref<1x128xi32, #tpu.memory_space<hbm>> -> memref<128xi32, #tpu.memory_space<hbm>>
        %dma_wait3A_86 = arith.constant 0 : i32
        %dma_wait3A_87 = tpu.memref_slice %arg4[%add3A_50, %dma_wait3A_86] : memref<2544x128xi32, #tpu.memory_space<hbm>> -> memref<1x128xi32, #tpu.memory_space<hbm>>
        %dma_wait3A_88 = tpu.memref_squeeze %dma_wait3A_87 : memref<1x128xi32, #tpu.memory_space<hbm>> -> memref<128xi32, #tpu.memory_space<hbm>>
        tpu.wait_dma2 semaphore(%run_scoped3A : memref<!tpu.dma_semaphore, #tpu.memory_space<semaphore_mem>>) src(%dma_wait3A_88 : memref<128xi32, #tpu.memory_space<hbm>>) dst(%arg10 : memref<128xi32, #tpu.memory_space<vmem>>)
        tpu.yield
      }) : () -> ()
      %mul3A_51 = arith.constant 3 : i32
      %mul3A_52 = arith.muli %mul3A_51, %while3A_42 : i32
      %add3A_53 = arith.constant 1 : i32
      %add3A_54 = arith.addi %mul3A_52, %add3A_53 : i32
      %add3A_55 = arith.addi %select_n3A, %add3A_54 : i32
      "tpu.region"() ({
        %run_scoped3A = tpu.sem_alloc : memref<!tpu.dma_semaphore, #tpu.memory_space<semaphore_mem>>
        %dma_start3A_77 = arith.constant 0 : i32
        %dma_start3A_78 = tpu.memref_slice %arg3[%add3A_55, %dma_start3A_77] : memref<2544x128xi32, #tpu.memory_space<hbm>> -> memref<1x128xi32, #tpu.memory_space<hbm>>
        %dma_start3A_79 = tpu.memref_squeeze %dma_start3A_78 : memref<1x128xi32, #tpu.memory_space<hbm>> -> memref<128xi32, #tpu.memory_space<hbm>>
        %dma_start3A_80 = arith.constant 0 : i32
        %dma_start3A_81 = tpu.memref_slice %arg3[%add3A_55, %dma_start3A_80] : memref<2544x128xi32, #tpu.memory_space<hbm>> -> memref<1x128xi32, #tpu.memory_space<hbm>>
        %dma_start3A_82 = tpu.memref_squeeze %dma_start3A_81 : memref<1x128xi32, #tpu.memory_space<hbm>> -> memref<128xi32, #tpu.memory_space<hbm>>
        tpu.enqueue_dma source(%dma_start3A_82 : memref<128xi32, #tpu.memory_space<hbm>>) target(%arg8 : memref<128xi32, #tpu.memory_space<vmem>>) target_semaphore(%run_scoped3A : memref<!tpu.dma_semaphore, #tpu.memory_space<semaphore_mem>>)
        %dma_wait3A_83 = arith.constant 0 : i32
        %dma_wait3A_84 = tpu.memref_slice %arg3[%add3A_55, %dma_wait3A_83] : memref<2544x128xi32, #tpu.memory_space<hbm>> -> memref<1x128xi32, #tpu.memory_space<hbm>>
        %dma_wait3A_85 = tpu.memref_squeeze %dma_wait3A_84 : memref<1x128xi32, #tpu.memory_space<hbm>> -> memref<128xi32, #tpu.memory_space<hbm>>
        %dma_wait3A_86 = arith.constant 0 : i32
        %dma_wait3A_87 = tpu.memref_slice %arg3[%add3A_55, %dma_wait3A_86] : memref<2544x128xi32, #tpu.memory_space<hbm>> -> memref<1x128xi32, #tpu.memory_space<hbm>>
        %dma_wait3A_88 = tpu.memref_squeeze %dma_wait3A_87 : memref<1x128xi32, #tpu.memory_space<hbm>> -> memref<128xi32, #tpu.memory_space<hbm>>
        tpu.wait_dma2 semaphore(%run_scoped3A : memref<!tpu.dma_semaphore, #tpu.memory_space<semaphore_mem>>) src(%dma_wait3A_88 : memref<128xi32, #tpu.memory_space<hbm>>) dst(%arg8 : memref<128xi32, #tpu.memory_space<vmem>>)
        tpu.yield
      }) : () -> ()
      %dma_start3A_56 = arith.constant 0 : i32
      %dma_start3A_57 = arith.constant 0 : i32
      %dma_start3A_58 = tpu.memref_slice %arg2[%dma_start3A_56, %dma_start3A_57] : memref<10000x128xf32, #tpu.memory_space<hbm>> -> memref<10000x128xf32, #tpu.memory_space<hbm>>
      tpu.enqueue_indirect_dma source(%dma_start3A_58 : memref<10000x128xf32, #tpu.memory_space<hbm>>) target(%arg14 : memref<128x128xf32, #tpu.memory_space<vmem>>) offsets(%arg8 : memref<128xi32, #tpu.memory_space<vmem>>) semaphore(%arg18 : memref<!tpu.dma_semaphore, #tpu.memory_space<semaphore_mem>>)
      %add3A_59 = arith.addi %select_n3A, %add3A_54 : i32
      "tpu.region"() ({
        %run_scoped3A = tpu.sem_alloc : memref<!tpu.dma_semaphore, #tpu.memory_space<semaphore_mem>>
        %dma_start3A_77 = arith.constant 0 : i32
        %dma_start3A_78 = tpu.memref_slice %arg4[%add3A_59, %dma_start3A_77] : memref<2544x128xi32, #tpu.memory_space<hbm>> -> memref<1x128xi32, #tpu.memory_space<hbm>>
        %dma_start3A_79 = tpu.memref_squeeze %dma_start3A_78 : memref<1x128xi32, #tpu.memory_space<hbm>> -> memref<128xi32, #tpu.memory_space<hbm>>
        %dma_start3A_80 = arith.constant 0 : i32
        %dma_start3A_81 = tpu.memref_slice %arg4[%add3A_59, %dma_start3A_80] : memref<2544x128xi32, #tpu.memory_space<hbm>> -> memref<1x128xi32, #tpu.memory_space<hbm>>
        %dma_start3A_82 = tpu.memref_squeeze %dma_start3A_81 : memref<1x128xi32, #tpu.memory_space<hbm>> -> memref<128xi32, #tpu.memory_space<hbm>>
        tpu.enqueue_dma source(%dma_start3A_82 : memref<128xi32, #tpu.memory_space<hbm>>) target(%arg11 : memref<128xi32, #tpu.memory_space<vmem>>) target_semaphore(%run_scoped3A : memref<!tpu.dma_semaphore, #tpu.memory_space<semaphore_mem>>)
        %dma_wait3A_83 = arith.constant 0 : i32
        %dma_wait3A_84 = tpu.memref_slice %arg4[%add3A_59, %dma_wait3A_83] : memref<2544x128xi32, #tpu.memory_space<hbm>> -> memref<1x128xi32, #tpu.memory_space<hbm>>
        %dma_wait3A_85 = tpu.memref_squeeze %dma_wait3A_84 : memref<1x128xi32, #tpu.memory_space<hbm>> -> memref<128xi32, #tpu.memory_space<hbm>>
        %dma_wait3A_86 = arith.constant 0 : i32
        %dma_wait3A_87 = tpu.memref_slice %arg4[%add3A_59, %dma_wait3A_86] : memref<2544x128xi32, #tpu.memory_space<hbm>> -> memref<1x128xi32, #tpu.memory_space<hbm>>
        %dma_wait3A_88 = tpu.memref_squeeze %dma_wait3A_87 : memref<1x128xi32, #tpu.memory_space<hbm>> -> memref<128xi32, #tpu.memory_space<hbm>>
        tpu.wait_dma2 semaphore(%run_scoped3A : memref<!tpu.dma_semaphore, #tpu.memory_space<semaphore_mem>>) src(%dma_wait3A_88 : memref<128xi32, #tpu.memory_space<hbm>>) dst(%arg11 : memref<128xi32, #tpu.memory_space<vmem>>)
        tpu.yield
      }) : () -> ()
      %mul3A_60 = arith.constant 3 : i32
      %mul3A_61 = arith.muli %mul3A_60, %while3A_42 : i32
      %add3A_62 = arith.constant 2 : i32
      %add3A_63 = arith.addi %mul3A_61, %add3A_62 : i32
      %add3A_64 = arith.addi %select_n3A, %add3A_63 : i32
      "tpu.region"() ({
        %run_scoped3A = tpu.sem_alloc : memref<!tpu.dma_semaphore, #tpu.memory_space<semaphore_mem>>
        %dma_start3A_77 = arith.constant 0 : i32
        %dma_start3A_78 = tpu.memref_slice %arg3[%add3A_64, %dma_start3A_77] : memref<2544x128xi32, #tpu.memory_space<hbm>> -> memref<1x128xi32, #tpu.memory_space<hbm>>
        %dma_start3A_79 = tpu.memref_squeeze %dma_start3A_78 : memref<1x128xi32, #tpu.memory_space<hbm>> -> memref<128xi32, #tpu.memory_space<hbm>>
        %dma_start3A_80 = arith.constant 0 : i32
        %dma_start3A_81 = tpu.memref_slice %arg3[%add3A_64, %dma_start3A_80] : memref<2544x128xi32, #tpu.memory_space<hbm>> -> memref<1x128xi32, #tpu.memory_space<hbm>>
        %dma_start3A_82 = tpu.memref_squeeze %dma_start3A_81 : memref<1x128xi32, #tpu.memory_space<hbm>> -> memref<128xi32, #tpu.memory_space<hbm>>
        tpu.enqueue_dma source(%dma_start3A_82 : memref<128xi32, #tpu.memory_space<hbm>>) target(%arg9 : memref<128xi32, #tpu.memory_space<vmem>>) target_semaphore(%run_scoped3A : memref<!tpu.dma_semaphore, #tpu.memory_space<semaphore_mem>>)
        %dma_wait3A_83 = arith.constant 0 : i32
        %dma_wait3A_84 = tpu.memref_slice %arg3[%add3A_64, %dma_wait3A_83] : memref<2544x128xi32, #tpu.memory_space<hbm>> -> memref<1x128xi32, #tpu.memory_space<hbm>>
        %dma_wait3A_85 = tpu.memref_squeeze %dma_wait3A_84 : memref<1x128xi32, #tpu.memory_space<hbm>> -> memref<128xi32, #tpu.memory_space<hbm>>
        %dma_wait3A_86 = arith.constant 0 : i32
        %dma_wait3A_87 = tpu.memref_slice %arg3[%add3A_64, %dma_wait3A_86] : memref<2544x128xi32, #tpu.memory_space<hbm>> -> memref<1x128xi32, #tpu.memory_space<hbm>>
        %dma_wait3A_88 = tpu.memref_squeeze %dma_wait3A_87 : memref<1x128xi32, #tpu.memory_space<hbm>> -> memref<128xi32, #tpu.memory_space<hbm>>
        tpu.wait_dma2 semaphore(%run_scoped3A : memref<!tpu.dma_semaphore, #tpu.memory_space<semaphore_mem>>) src(%dma_wait3A_88 : memref<128xi32, #tpu.memory_space<hbm>>) dst(%arg9 : memref<128xi32, #tpu.memory_space<vmem>>)
        tpu.yield
      }) : () -> ()
      %dma_start3A_65 = arith.constant 0 : i32
      %dma_start3A_66 = arith.constant 0 : i32
      %dma_start3A_67 = tpu.memref_slice %arg2[%dma_start3A_65, %dma_start3A_66] : memref<10000x128xf32, #tpu.memory_space<hbm>> -> memref<10000x128xf32, #tpu.memory_space<hbm>>
      tpu.enqueue_indirect_dma source(%dma_start3A_67 : memref<10000x128xf32, #tpu.memory_space<hbm>>) target(%arg15 : memref<128x128xf32, #tpu.memory_space<vmem>>) offsets(%arg9 : memref<128xi32, #tpu.memory_space<vmem>>) semaphore(%arg19 : memref<!tpu.dma_semaphore, #tpu.memory_space<semaphore_mem>>)
      %add3A_68 = arith.addi %select_n3A, %add3A_63 : i32
      "tpu.region"() ({
        %run_scoped3A = tpu.sem_alloc : memref<!tpu.dma_semaphore, #tpu.memory_space<semaphore_mem>>
        %dma_start3A_77 = arith.constant 0 : i32
        %dma_start3A_78 = tpu.memref_slice %arg4[%add3A_68, %dma_start3A_77] : memref<2544x128xi32, #tpu.memory_space<hbm>> -> memref<1x128xi32, #tpu.memory_space<hbm>>
        %dma_start3A_79 = tpu.memref_squeeze %dma_start3A_78 : memref<1x128xi32, #tpu.memory_space<hbm>> -> memref<128xi32, #tpu.memory_space<hbm>>
        %dma_start3A_80 = arith.constant 0 : i32
        %dma_start3A_81 = tpu.memref_slice %arg4[%add3A_68, %dma_start3A_80] : memref<2544x128xi32, #tpu.memory_space<hbm>> -> memref<1x128xi32, #tpu.memory_space<hbm>>
        %dma_start3A_82 = tpu.memref_squeeze %dma_start3A_81 : memref<1x128xi32, #tpu.memory_space<hbm>> -> memref<128xi32, #tpu.memory_space<hbm>>
        tpu.enqueue_dma source(%dma_start3A_82 : memref<128xi32, #tpu.memory_space<hbm>>) target(%arg12 : memref<128xi32, #tpu.memory_space<vmem>>) target_semaphore(%run_scoped3A : memref<!tpu.dma_semaphore, #tpu.memory_space<semaphore_mem>>)
        %dma_wait3A_83 = arith.constant 0 : i32
        %dma_wait3A_84 = tpu.memref_slice %arg4[%add3A_68, %dma_wait3A_83] : memref<2544x128xi32, #tpu.memory_space<hbm>> -> memref<1x128xi32, #tpu.memory_space<hbm>>
        %dma_wait3A_85 = tpu.memref_squeeze %dma_wait3A_84 : memref<1x128xi32, #tpu.memory_space<hbm>> -> memref<128xi32, #tpu.memory_space<hbm>>
        %dma_wait3A_86 = arith.constant 0 : i32
        %dma_wait3A_87 = tpu.memref_slice %arg4[%add3A_68, %dma_wait3A_86] : memref<2544x128xi32, #tpu.memory_space<hbm>> -> memref<1x128xi32, #tpu.memory_space<hbm>>
        %dma_wait3A_88 = tpu.memref_squeeze %dma_wait3A_87 : memref<1x128xi32, #tpu.memory_space<hbm>> -> memref<128xi32, #tpu.memory_space<hbm>>
        tpu.wait_dma2 semaphore(%run_scoped3A : memref<!tpu.dma_semaphore, #tpu.memory_space<semaphore_mem>>) src(%dma_wait3A_88 : memref<128xi32, #tpu.memory_space<hbm>>) dst(%arg12 : memref<128xi32, #tpu.memory_space<vmem>>)
        tpu.yield
      }) : () -> ()
      %dma_wait3A = arith.constant 0 : i32
      %dma_wait3A_69 = arith.constant 0 : i32
      %dma_wait3A_70 = tpu.memref_slice %arg2[%dma_wait3A, %dma_wait3A_69] : memref<10000x128xf32, #tpu.memory_space<hbm>> -> memref<10000x128xf32, #tpu.memory_space<hbm>>
      tpu.wait_indirect_dma semaphore(%arg17 : memref<!tpu.dma_semaphore, #tpu.memory_space<semaphore_mem>>) src(%dma_wait3A_70 : memref<10000x128xf32, #tpu.memory_space<hbm>>) dst(%arg13 : memref<128x128xf32, #tpu.memory_space<vmem>>)
      "tpu.region"() ({
        %run_scoped3A = tpu.sem_alloc : memref<!tpu.dma_semaphore, #tpu.memory_space<semaphore_mem>>
        %dma_start3A_77 = arith.constant 0 : i32
        %dma_start3A_78 = arith.constant 0 : i32
        %dma_start3A_79 = tpu.memref_slice %arg16[%dma_start3A_77, %dma_start3A_78] : memref<10112x128xf32, #tpu.memory_space<vmem_shared>> -> memref<10112x128xf32, #tpu.memory_space<vmem_shared>>
        tpu.enqueue_indirect_dma source(%arg13 : memref<128x128xf32, #tpu.memory_space<vmem>>) target(%dma_start3A_79 : memref<10112x128xf32, #tpu.memory_space<vmem_shared>>) offsets(%arg10 : memref<128xi32, #tpu.memory_space<vmem>>) semaphore(%run_scoped3A : memref<!tpu.dma_semaphore, #tpu.memory_space<semaphore_mem>>) {add = true}
        %dma_wait3A_80 = arith.constant 0 : i32
        %dma_wait3A_81 = arith.constant 0 : i32
        %dma_wait3A_82 = tpu.memref_slice %arg16[%dma_wait3A_80, %dma_wait3A_81] : memref<10112x128xf32, #tpu.memory_space<vmem_shared>> -> memref<10112x128xf32, #tpu.memory_space<vmem_shared>>
        tpu.wait_indirect_dma semaphore(%run_scoped3A : memref<!tpu.dma_semaphore, #tpu.memory_space<semaphore_mem>>) src(%arg13 : memref<128x128xf32, #tpu.memory_space<vmem>>) dst(%dma_wait3A_82 : memref<10112x128xf32, #tpu.memory_space<vmem_shared>>)
        tpu.yield
      }) : () -> ()
      %dma_wait3A_71 = arith.constant 0 : i32
      %dma_wait3A_72 = arith.constant 0 : i32
      %dma_wait3A_73 = tpu.memref_slice %arg2[%dma_wait3A_71, %dma_wait3A_72] : memref<10000x128xf32, #tpu.memory_space<hbm>> -> memref<10000x128xf32, #tpu.memory_space<hbm>>
      tpu.wait_indirect_dma semaphore(%arg18 : memref<!tpu.dma_semaphore, #tpu.memory_space<semaphore_mem>>) src(%dma_wait3A_73 : memref<10000x128xf32, #tpu.memory_space<hbm>>) dst(%arg14 : memref<128x128xf32, #tpu.memory_space<vmem>>)
      "tpu.region"() ({
        %run_scoped3A = tpu.sem_alloc : memref<!tpu.dma_semaphore, #tpu.memory_space<semaphore_mem>>
        %dma_start3A_77 = arith.constant 0 : i32
        %dma_start3A_78 = arith.constant 0 : i32
        %dma_start3A_79 = tpu.memref_slice %arg16[%dma_start3A_77, %dma_start3A_78] : memref<10112x128xf32, #tpu.memory_space<vmem_shared>> -> memref<10112x128xf32, #tpu.memory_space<vmem_shared>>
        tpu.enqueue_indirect_dma source(%arg14 : memref<128x128xf32, #tpu.memory_space<vmem>>) target(%dma_start3A_79 : memref<10112x128xf32, #tpu.memory_space<vmem_shared>>) offsets(%arg11 : memref<128xi32, #tpu.memory_space<vmem>>) semaphore(%run_scoped3A : memref<!tpu.dma_semaphore, #tpu.memory_space<semaphore_mem>>) {add = true}
        %dma_wait3A_80 = arith.constant 0 : i32
        %dma_wait3A_81 = arith.constant 0 : i32
        %dma_wait3A_82 = tpu.memref_slice %arg16[%dma_wait3A_80, %dma_wait3A_81] : memref<10112x128xf32, #tpu.memory_space<vmem_shared>> -> memref<10112x128xf32, #tpu.memory_space<vmem_shared>>
        tpu.wait_indirect_dma semaphore(%run_scoped3A : memref<!tpu.dma_semaphore, #tpu.memory_space<semaphore_mem>>) src(%arg14 : memref<128x128xf32, #tpu.memory_space<vmem>>) dst(%dma_wait3A_82 : memref<10112x128xf32, #tpu.memory_space<vmem_shared>>)
        tpu.yield
      }) : () -> ()
      %dma_wait3A_74 = arith.constant 0 : i32
      %dma_wait3A_75 = arith.constant 0 : i32
      %dma_wait3A_76 = tpu.memref_slice %arg2[%dma_wait3A_74, %dma_wait3A_75] : memref<10000x128xf32, #tpu.memory_space<hbm>> -> memref<10000x128xf32, #tpu.memory_space<hbm>>
      tpu.wait_indirect_dma semaphore(%arg19 : memref<!tpu.dma_semaphore, #tpu.memory_space<semaphore_mem>>) src(%dma_wait3A_76 : memref<10000x128xf32, #tpu.memory_space<hbm>>) dst(%arg15 : memref<128x128xf32, #tpu.memory_space<vmem>>)
      "tpu.region"() ({
        %run_scoped3A = tpu.sem_alloc : memref<!tpu.dma_semaphore, #tpu.memory_space<semaphore_mem>>
        %dma_start3A_77 = arith.constant 0 : i32
        %dma_start3A_78 = arith.constant 0 : i32
        %dma_start3A_79 = tpu.memref_slice %arg16[%dma_start3A_77, %dma_start3A_78] : memref<10112x128xf32, #tpu.memory_space<vmem_shared>> -> memref<10112x128xf32, #tpu.memory_space<vmem_shared>>
        tpu.enqueue_indirect_dma source(%arg15 : memref<128x128xf32, #tpu.memory_space<vmem>>) target(%dma_start3A_79 : memref<10112x128xf32, #tpu.memory_space<vmem_shared>>) offsets(%arg12 : memref<128xi32, #tpu.memory_space<vmem>>) semaphore(%run_scoped3A : memref<!tpu.dma_semaphore, #tpu.memory_space<semaphore_mem>>) {add = true}
        %dma_wait3A_80 = arith.constant 0 : i32
        %dma_wait3A_81 = arith.constant 0 : i32
        %dma_wait3A_82 = tpu.memref_slice %arg16[%dma_wait3A_80, %dma_wait3A_81] : memref<10112x128xf32, #tpu.memory_space<vmem_shared>> -> memref<10112x128xf32, #tpu.memory_space<vmem_shared>>
        tpu.wait_indirect_dma semaphore(%run_scoped3A : memref<!tpu.dma_semaphore, #tpu.memory_space<semaphore_mem>>) src(%arg15 : memref<128x128xf32, #tpu.memory_space<vmem>>) dst(%dma_wait3A_82 : memref<10112x128xf32, #tpu.memory_space<vmem_shared>>)
        tpu.yield
      }) : () -> ()
    }
    %while3A_40 = arith.constant 1 : i32
    scf.for %while3A_42 = %while3A_38 to %while3A_34 step %while3A_40  : i32 {
      %mul3A_43 = arith.constant 3 : i32
      %mul3A_44 = arith.muli %mul3A_43, %while3A_42 : i32
      %add3A_45 = arith.constant 0 : i32
      %add3A_46 = arith.addi %mul3A_44, %add3A_45 : i32
      %add3A_47 = arith.addi %select_n3A, %add3A_46 : i32
      "tpu.region"() ({
        %run_scoped3A = tpu.sem_alloc : memref<!tpu.dma_semaphore, #tpu.memory_space<semaphore_mem>>
        %dma_start3A_77 = arith.constant 0 : i32
        %dma_start3A_78 = tpu.memref_slice %arg3[%add3A_47, %dma_start3A_77] : memref<2544x128xi32, #tpu.memory_space<hbm>> -> memref<1x128xi32, #tpu.memory_space<hbm>>
        %dma_start3A_79 = tpu.memref_squeeze %dma_start3A_78 : memref<1x128xi32, #tpu.memory_space<hbm>> -> memref<128xi32, #tpu.memory_space<hbm>>
        %dma_start3A_80 = arith.constant 0 : i32
        %dma_start3A_81 = tpu.memref_slice %arg3[%add3A_47, %dma_start3A_80] : memref<2544x128xi32, #tpu.memory_space<hbm>> -> memref<1x128xi32, #tpu.memory_space<hbm>>
        %dma_start3A_82 = tpu.memref_squeeze %dma_start3A_81 : memref<1x128xi32, #tpu.memory_space<hbm>> -> memref<128xi32, #tpu.memory_space<hbm>>
        tpu.enqueue_dma source(%dma_start3A_82 : memref<128xi32, #tpu.memory_space<hbm>>) target(%arg7 : memref<128xi32, #tpu.memory_space<vmem>>) target_semaphore(%run_scoped3A : memref<!tpu.dma_semaphore, #tpu.memory_space<semaphore_mem>>)
        %dma_wait3A_83 = arith.constant 0 : i32
        %dma_wait3A_84 = tpu.memref_slice %arg3[%add3A_47, %dma_wait3A_83] : memref<2544x128xi32, #tpu.memory_space<hbm>> -> memref<1x128xi32, #tpu.memory_space<hbm>>
        %dma_wait3A_85 = tpu.memref_squeeze %dma_wait3A_84 : memref<1x128xi32, #tpu.memory_space<hbm>> -> memref<128xi32, #tpu.memory_space<hbm>>
        %dma_wait3A_86 = arith.constant 0 : i32
        %dma_wait3A_87 = tpu.memref_slice %arg3[%add3A_47, %dma_wait3A_86] : memref<2544x128xi32, #tpu.memory_space<hbm>> -> memref<1x128xi32, #tpu.memory_space<hbm>>
        %dma_wait3A_88 = tpu.memref_squeeze %dma_wait3A_87 : memref<1x128xi32, #tpu.memory_space<hbm>> -> memref<128xi32, #tpu.memory_space<hbm>>
        tpu.wait_dma2 semaphore(%run_scoped3A : memref<!tpu.dma_semaphore, #tpu.memory_space<semaphore_mem>>) src(%dma_wait3A_88 : memref<128xi32, #tpu.memory_space<hbm>>) dst(%arg7 : memref<128xi32, #tpu.memory_space<vmem>>)
        tpu.yield
      }) : () -> ()
      %dma_start3A = arith.constant 0 : i32
      %dma_start3A_48 = arith.constant 0 : i32
      %dma_start3A_49 = tpu.memref_slice %arg2[%dma_start3A, %dma_start3A_48] : memref<10000x128xf32, #tpu.memory_space<hbm>> -> memref<10000x128xf32, #tpu.memory_space<hbm>>
      tpu.enqueue_indirect_dma source(%dma_start3A_49 : memref<10000x128xf32, #tpu.memory_space<hbm>>) target(%arg13 : memref<128x128xf32, #tpu.memory_space<vmem>>) offsets(%arg7 : memref<128xi32, #tpu.memory_space<vmem>>) semaphore(%arg17 : memref<!tpu.dma_semaphore, #tpu.memory_space<semaphore_mem>>)
      %add3A_50 = arith.addi %select_n3A, %add3A_46 : i32
      "tpu.region"() ({
        %run_scoped3A = tpu.sem_alloc : memref<!tpu.dma_semaphore, #tpu.memory_space<semaphore_mem>>
        %dma_start3A_77 = arith.constant 0 : i32
        %dma_start3A_78 = tpu.memref_slice %arg4[%add3A_50, %dma_start3A_77] : memref<2544x128xi32, #tpu.memory_space<hbm>> -> memref<1x128xi32, #tpu.memory_space<hbm>>
        %dma_start3A_79 = tpu.memref_squeeze %dma_start3A_78 : memref<1x128xi32, #tpu.memory_space<hbm>> -> memref<128xi32, #tpu.memory_space<hbm>>
        %dma_start3A_80 = arith.constant 0 : i32
        %dma_start3A_81 = tpu.memref_slice %arg4[%add3A_50, %dma_start3A_80] : memref<2544x128xi32, #tpu.memory_space<hbm>> -> memref<1x128xi32, #tpu.memory_space<hbm>>
        %dma_start3A_82 = tpu.memref_squeeze %dma_start3A_81 : memref<1x128xi32, #tpu.memory_space<hbm>> -> memref<128xi32, #tpu.memory_space<hbm>>
        tpu.enqueue_dma source(%dma_start3A_82 : memref<128xi32, #tpu.memory_space<hbm>>) target(%arg10 : memref<128xi32, #tpu.memory_space<vmem>>) target_semaphore(%run_scoped3A : memref<!tpu.dma_semaphore, #tpu.memory_space<semaphore_mem>>)
        %dma_wait3A_83 = arith.constant 0 : i32
        %dma_wait3A_84 = tpu.memref_slice %arg4[%add3A_50, %dma_wait3A_83] : memref<2544x128xi32, #tpu.memory_space<hbm>> -> memref<1x128xi32, #tpu.memory_space<hbm>>
        %dma_wait3A_85 = tpu.memref_squeeze %dma_wait3A_84 : memref<1x128xi32, #tpu.memory_space<hbm>> -> memref<128xi32, #tpu.memory_space<hbm>>
        %dma_wait3A_86 = arith.constant 0 : i32
        %dma_wait3A_87 = tpu.memref_slice %arg4[%add3A_50, %dma_wait3A_86] : memref<2544x128xi32, #tpu.memory_space<hbm>> -> memref<1x128xi32, #tpu.memory_space<hbm>>
        %dma_wait3A_88 = tpu.memref_squeeze %dma_wait3A_87 : memref<1x128xi32, #tpu.memory_space<hbm>> -> memref<128xi32, #tpu.memory_space<hbm>>
        tpu.wait_dma2 semaphore(%run_scoped3A : memref<!tpu.dma_semaphore, #tpu.memory_space<semaphore_mem>>) src(%dma_wait3A_88 : memref<128xi32, #tpu.memory_space<hbm>>) dst(%arg10 : memref<128xi32, #tpu.memory_space<vmem>>)
        tpu.yield
      }) : () -> ()
      %mul3A_51 = arith.constant 3 : i32
      %mul3A_52 = arith.muli %mul3A_51, %while3A_42 : i32
      %add3A_53 = arith.constant 1 : i32
      %add3A_54 = arith.addi %mul3A_52, %add3A_53 : i32
      %add3A_55 = arith.addi %select_n3A, %add3A_54 : i32
      "tpu.region"() ({
        %run_scoped3A = tpu.sem_alloc : memref<!tpu.dma_semaphore, #tpu.memory_space<semaphore_mem>>
        %dma_start3A_77 = arith.constant 0 : i32
        %dma_start3A_78 = tpu.memref_slice %arg3[%add3A_55, %dma_start3A_77] : memref<2544x128xi32, #tpu.memory_space<hbm>> -> memref<1x128xi32, #tpu.memory_space<hbm>>
        %dma_start3A_79 = tpu.memref_squeeze %dma_start3A_78 : memref<1x128xi32, #tpu.memory_space<hbm>> -> memref<128xi32, #tpu.memory_space<hbm>>
        %dma_start3A_80 = arith.constant 0 : i32
        %dma_start3A_81 = tpu.memref_slice %arg3[%add3A_55, %dma_start3A_80] : memref<2544x128xi32, #tpu.memory_space<hbm>> -> memref<1x128xi32, #tpu.memory_space<hbm>>
        %dma_start3A_82 = tpu.memref_squeeze %dma_start3A_81 : memref<1x128xi32, #tpu.memory_space<hbm>> -> memref<128xi32, #tpu.memory_space<hbm>>
        tpu.enqueue_dma source(%dma_start3A_82 : memref<128xi32, #tpu.memory_space<hbm>>) target(%arg8 : memref<128xi32, #tpu.memory_space<vmem>>) target_semaphore(%run_scoped3A : memref<!tpu.dma_semaphore, #tpu.memory_space<semaphore_mem>>)
        %dma_wait3A_83 = arith.constant 0 : i32
        %dma_wait3A_84 = tpu.memref_slice %arg3[%add3A_55, %dma_wait3A_83] : memref<2544x128xi32, #tpu.memory_space<hbm>> -> memref<1x128xi32, #tpu.memory_space<hbm>>
        %dma_wait3A_85 = tpu.memref_squeeze %dma_wait3A_84 : memref<1x128xi32, #tpu.memory_space<hbm>> -> memref<128xi32, #tpu.memory_space<hbm>>
        %dma_wait3A_86 = arith.constant 0 : i32
        %dma_wait3A_87 = tpu.memref_slice %arg3[%add3A_55, %dma_wait3A_86] : memref<2544x128xi32, #tpu.memory_space<hbm>> -> memref<1x128xi32, #tpu.memory_space<hbm>>
        %dma_wait3A_88 = tpu.memref_squeeze %dma_wait3A_87 : memref<1x128xi32, #tpu.memory_space<hbm>> -> memref<128xi32, #tpu.memory_space<hbm>>
        tpu.wait_dma2 semaphore(%run_scoped3A : memref<!tpu.dma_semaphore, #tpu.memory_space<semaphore_mem>>) src(%dma_wait3A_88 : memref<128xi32, #tpu.memory_space<hbm>>) dst(%arg8 : memref<128xi32, #tpu.memory_space<vmem>>)
        tpu.yield
      }) : () -> ()
      %dma_start3A_56 = arith.constant 0 : i32
      %dma_start3A_57 = arith.constant 0 : i32
      %dma_start3A_58 = tpu.memref_slice %arg2[%dma_start3A_56, %dma_start3A_57] : memref<10000x128xf32, #tpu.memory_space<hbm>> -> memref<10000x128xf32, #tpu.memory_space<hbm>>
      tpu.enqueue_indirect_dma source(%dma_start3A_58 : memref<10000x128xf32, #tpu.memory_space<hbm>>) target(%arg14 : memref<128x128xf32, #tpu.memory_space<vmem>>) offsets(%arg8 : memref<128xi32, #tpu.memory_space<vmem>>) semaphore(%arg18 : memref<!tpu.dma_semaphore, #tpu.memory_space<semaphore_mem>>)
      %add3A_59 = arith.addi %select_n3A, %add3A_54 : i32
      "tpu.region"() ({
        %run_scoped3A = tpu.sem_alloc : memref<!tpu.dma_semaphore, #tpu.memory_space<semaphore_mem>>
        %dma_start3A_77 = arith.constant 0 : i32
        %dma_start3A_78 = tpu.memref_slice %arg4[%add3A_59, %dma_start3A_77] : memref<2544x128xi32, #tpu.memory_space<hbm>> -> memref<1x128xi32, #tpu.memory_space<hbm>>
        %dma_start3A_79 = tpu.memref_squeeze %dma_start3A_78 : memref<1x128xi32, #tpu.memory_space<hbm>> -> memref<128xi32, #tpu.memory_space<hbm>>
        %dma_start3A_80 = arith.constant 0 : i32
        %dma_start3A_81 = tpu.memref_slice %arg4[%add3A_59, %dma_start3A_80] : memref<2544x128xi32, #tpu.memory_space<hbm>> -> memref<1x128xi32, #tpu.memory_space<hbm>>
        %dma_start3A_82 = tpu.memref_squeeze %dma_start3A_81 : memref<1x128xi32, #tpu.memory_space<hbm>> -> memref<128xi32, #tpu.memory_space<hbm>>
        tpu.enqueue_dma source(%dma_start3A_82 : memref<128xi32, #tpu.memory_space<hbm>>) target(%arg11 : memref<128xi32, #tpu.memory_space<vmem>>) target_semaphore(%run_scoped3A : memref<!tpu.dma_semaphore, #tpu.memory_space<semaphore_mem>>)
        %dma_wait3A_83 = arith.constant 0 : i32
        %dma_wait3A_84 = tpu.memref_slice %arg4[%add3A_59, %dma_wait3A_83] : memref<2544x128xi32, #tpu.memory_space<hbm>> -> memref<1x128xi32, #tpu.memory_space<hbm>>
        %dma_wait3A_85 = tpu.memref_squeeze %dma_wait3A_84 : memref<1x128xi32, #tpu.memory_space<hbm>> -> memref<128xi32, #tpu.memory_space<hbm>>
        %dma_wait3A_86 = arith.constant 0 : i32
        %dma_wait3A_87 = tpu.memref_slice %arg4[%add3A_59, %dma_wait3A_86] : memref<2544x128xi32, #tpu.memory_space<hbm>> -> memref<1x128xi32, #tpu.memory_space<hbm>>
        %dma_wait3A_88 = tpu.memref_squeeze %dma_wait3A_87 : memref<1x128xi32, #tpu.memory_space<hbm>> -> memref<128xi32, #tpu.memory_space<hbm>>
        tpu.wait_dma2 semaphore(%run_scoped3A : memref<!tpu.dma_semaphore, #tpu.memory_space<semaphore_mem>>) src(%dma_wait3A_88 : memref<128xi32, #tpu.memory_space<hbm>>) dst(%arg11 : memref<128xi32, #tpu.memory_space<vmem>>)
        tpu.yield
      }) : () -> ()
      %mul3A_60 = arith.constant 3 : i32
      %mul3A_61 = arith.muli %mul3A_60, %while3A_42 : i32
      %add3A_62 = arith.constant 2 : i32
      %add3A_63 = arith.addi %mul3A_61, %add3A_62 : i32
      %add3A_64 = arith.addi %select_n3A, %add3A_63 : i32
      "tpu.region"() ({
        %run_scoped3A = tpu.sem_alloc : memref<!tpu.dma_semaphore, #tpu.memory_space<semaphore_mem>>
        %dma_start3A_77 = arith.constant 0 : i32
        %dma_start3A_78 = tpu.memref_slice %arg3[%add3A_64, %dma_start3A_77] : memref<2544x128xi32, #tpu.memory_space<hbm>> -> memref<1x128xi32, #tpu.memory_space<hbm>>
        %dma_start3A_79 = tpu.memref_squeeze %dma_start3A_78 : memref<1x128xi32, #tpu.memory_space<hbm>> -> memref<128xi32, #tpu.memory_space<hbm>>
        %dma_start3A_80 = arith.constant 0 : i32
        %dma_start3A_81 = tpu.memref_slice %arg3[%add3A_64, %dma_start3A_80] : memref<2544x128xi32, #tpu.memory_space<hbm>> -> memref<1x128xi32, #tpu.memory_space<hbm>>
        %dma_start3A_82 = tpu.memref_squeeze %dma_start3A_81 : memref<1x128xi32, #tpu.memory_space<hbm>> -> memref<128xi32, #tpu.memory_space<hbm>>
        tpu.enqueue_dma source(%dma_start3A_82 : memref<128xi32, #tpu.memory_space<hbm>>) target(%arg9 : memref<128xi32, #tpu.memory_space<vmem>>) target_semaphore(%run_scoped3A : memref<!tpu.dma_semaphore, #tpu.memory_space<semaphore_mem>>)
        %dma_wait3A_83 = arith.constant 0 : i32
        %dma_wait3A_84 = tpu.memref_slice %arg3[%add3A_64, %dma_wait3A_83] : memref<2544x128xi32, #tpu.memory_space<hbm>> -> memref<1x128xi32, #tpu.memory_space<hbm>>
        %dma_wait3A_85 = tpu.memref_squeeze %dma_wait3A_84 : memref<1x128xi32, #tpu.memory_space<hbm>> -> memref<128xi32, #tpu.memory_space<hbm>>
        %dma_wait3A_86 = arith.constant 0 : i32
        %dma_wait3A_87 = tpu.memref_slice %arg3[%add3A_64, %dma_wait3A_86] : memref<2544x128xi32, #tpu.memory_space<hbm>> -> memref<1x128xi32, #tpu.memory_space<hbm>>
        %dma_wait3A_88 = tpu.memref_squeeze %dma_wait3A_87 : memref<1x128xi32, #tpu.memory_space<hbm>> -> memref<128xi32, #tpu.memory_space<hbm>>
        tpu.wait_dma2 semaphore(%run_scoped3A : memref<!tpu.dma_semaphore, #tpu.memory_space<semaphore_mem>>) src(%dma_wait3A_88 : memref<128xi32, #tpu.memory_space<hbm>>) dst(%arg9 : memref<128xi32, #tpu.memory_space<vmem>>)
        tpu.yield
      }) : () -> ()
      %dma_start3A_65 = arith.constant 0 : i32
      %dma_start3A_66 = arith.constant 0 : i32
      %dma_start3A_67 = tpu.memref_slice %arg2[%dma_start3A_65, %dma_start3A_66] : memref<10000x128xf32, #tpu.memory_space<hbm>> -> memref<10000x128xf32, #tpu.memory_space<hbm>>
      tpu.enqueue_indirect_dma source(%dma_start3A_67 : memref<10000x128xf32, #tpu.memory_space<hbm>>) target(%arg15 : memref<128x128xf32, #tpu.memory_space<vmem>>) offsets(%arg9 : memref<128xi32, #tpu.memory_space<vmem>>) semaphore(%arg19 : memref<!tpu.dma_semaphore, #tpu.memory_space<semaphore_mem>>)
      %add3A_68 = arith.addi %select_n3A, %add3A_63 : i32
      "tpu.region"() ({
        %run_scoped3A = tpu.sem_alloc : memref<!tpu.dma_semaphore, #tpu.memory_space<semaphore_mem>>
        %dma_start3A_77 = arith.constant 0 : i32
        %dma_start3A_78 = tpu.memref_slice %arg4[%add3A_68, %dma_start3A_77] : memref<2544x128xi32, #tpu.memory_space<hbm>> -> memref<1x128xi32, #tpu.memory_space<hbm>>
        %dma_start3A_79 = tpu.memref_squeeze %dma_start3A_78 : memref<1x128xi32, #tpu.memory_space<hbm>> -> memref<128xi32, #tpu.memory_space<hbm>>
        %dma_start3A_80 = arith.constant 0 : i32
        %dma_start3A_81 = tpu.memref_slice %arg4[%add3A_68, %dma_start3A_80] : memref<2544x128xi32, #tpu.memory_space<hbm>> -> memref<1x128xi32, #tpu.memory_space<hbm>>
        %dma_start3A_82 = tpu.memref_squeeze %dma_start3A_81 : memref<1x128xi32, #tpu.memory_space<hbm>> -> memref<128xi32, #tpu.memory_space<hbm>>
        tpu.enqueue_dma source(%dma_start3A_82 : memref<128xi32, #tpu.memory_space<hbm>>) target(%arg12 : memref<128xi32, #tpu.memory_space<vmem>>) target_semaphore(%run_scoped3A : memref<!tpu.dma_semaphore, #tpu.memory_space<semaphore_mem>>)
        %dma_wait3A_83 = arith.constant 0 : i32
        %dma_wait3A_84 = tpu.memref_slice %arg4[%add3A_68, %dma_wait3A_83] : memref<2544x128xi32, #tpu.memory_space<hbm>> -> memref<1x128xi32, #tpu.memory_space<hbm>>
        %dma_wait3A_85 = tpu.memref_squeeze %dma_wait3A_84 : memref<1x128xi32, #tpu.memory_space<hbm>> -> memref<128xi32, #tpu.memory_space<hbm>>
        %dma_wait3A_86 = arith.constant 0 : i32
        %dma_wait3A_87 = tpu.memref_slice %arg4[%add3A_68, %dma_wait3A_86] : memref<2544x128xi32, #tpu.memory_space<hbm>> -> memref<1x128xi32, #tpu.memory_space<hbm>>
        %dma_wait3A_88 = tpu.memref_squeeze %dma_wait3A_87 : memref<1x128xi32, #tpu.memory_space<hbm>> -> memref<128xi32, #tpu.memory_space<hbm>>
        tpu.wait_dma2 semaphore(%run_scoped3A : memref<!tpu.dma_semaphore, #tpu.memory_space<semaphore_mem>>) src(%dma_wait3A_88 : memref<128xi32, #tpu.memory_space<hbm>>) dst(%arg12 : memref<128xi32, #tpu.memory_space<vmem>>)
        tpu.yield
      }) : () -> ()
      %dma_wait3A = arith.constant 0 : i32
      %dma_wait3A_69 = arith.constant 0 : i32
      %dma_wait3A_70 = tpu.memref_slice %arg2[%dma_wait3A, %dma_wait3A_69] : memref<10000x128xf32, #tpu.memory_space<hbm>> -> memref<10000x128xf32, #tpu.memory_space<hbm>>
      tpu.wait_indirect_dma semaphore(%arg17 : memref<!tpu.dma_semaphore, #tpu.memory_space<semaphore_mem>>) src(%dma_wait3A_70 : memref<10000x128xf32, #tpu.memory_space<hbm>>) dst(%arg13 : memref<128x128xf32, #tpu.memory_space<vmem>>)
      "tpu.region"() ({
        %run_scoped3A = tpu.sem_alloc : memref<!tpu.dma_semaphore, #tpu.memory_space<semaphore_mem>>
        %dma_start3A_77 = arith.constant 0 : i32
        %dma_start3A_78 = arith.constant 0 : i32
        %dma_start3A_79 = tpu.memref_slice %arg16[%dma_start3A_77, %dma_start3A_78] : memref<10112x128xf32, #tpu.memory_space<vmem_shared>> -> memref<10112x128xf32, #tpu.memory_space<vmem_shared>>
        tpu.enqueue_indirect_dma source(%arg13 : memref<128x128xf32, #tpu.memory_space<vmem>>) target(%dma_start3A_79 : memref<10112x128xf32, #tpu.memory_space<vmem_shared>>) offsets(%arg10 : memref<128xi32, #tpu.memory_space<vmem>>) semaphore(%run_scoped3A : memref<!tpu.dma_semaphore, #tpu.memory_space<semaphore_mem>>) {add = true}
        %dma_wait3A_80 = arith.constant 0 : i32
        %dma_wait3A_81 = arith.constant 0 : i32
        %dma_wait3A_82 = tpu.memref_slice %arg16[%dma_wait3A_80, %dma_wait3A_81] : memref<10112x128xf32, #tpu.memory_space<vmem_shared>> -> memref<10112x128xf32, #tpu.memory_space<vmem_shared>>
        tpu.wait_indirect_dma semaphore(%run_scoped3A : memref<!tpu.dma_semaphore, #tpu.memory_space<semaphore_mem>>) src(%arg13 : memref<128x128xf32, #tpu.memory_space<vmem>>) dst(%dma_wait3A_82 : memref<10112x128xf32, #tpu.memory_space<vmem_shared>>)
        tpu.yield
      }) : () -> ()
      %dma_wait3A_71 = arith.constant 0 : i32
      %dma_wait3A_72 = arith.constant 0 : i32
      %dma_wait3A_73 = tpu.memref_slice %arg2[%dma_wait3A_71, %dma_wait3A_72] : memref<10000x128xf32, #tpu.memory_space<hbm>> -> memref<10000x128xf32, #tpu.memory_space<hbm>>
      tpu.wait_indirect_dma semaphore(%arg18 : memref<!tpu.dma_semaphore, #tpu.memory_space<semaphore_mem>>) src(%dma_wait3A_73 : memref<10000x128xf32, #tpu.memory_space<hbm>>) dst(%arg14 : memref<128x128xf32, #tpu.memory_space<vmem>>)
      "tpu.region"() ({
        %run_scoped3A = tpu.sem_alloc : memref<!tpu.dma_semaphore, #tpu.memory_space<semaphore_mem>>
        %dma_start3A_77 = arith.constant 0 : i32
        %dma_start3A_78 = arith.constant 0 : i32
        %dma_start3A_79 = tpu.memref_slice %arg16[%dma_start3A_77, %dma_start3A_78] : memref<10112x128xf32, #tpu.memory_space<vmem_shared>> -> memref<10112x128xf32, #tpu.memory_space<vmem_shared>>
        tpu.enqueue_indirect_dma source(%arg14 : memref<128x128xf32, #tpu.memory_space<vmem>>) target(%dma_start3A_79 : memref<10112x128xf32, #tpu.memory_space<vmem_shared>>) offsets(%arg11 : memref<128xi32, #tpu.memory_space<vmem>>) semaphore(%run_scoped3A : memref<!tpu.dma_semaphore, #tpu.memory_space<semaphore_mem>>) {add = true}
        %dma_wait3A_80 = arith.constant 0 : i32
        %dma_wait3A_81 = arith.constant 0 : i32
        %dma_wait3A_82 = tpu.memref_slice %arg16[%dma_wait3A_80, %dma_wait3A_81] : memref<10112x128xf32, #tpu.memory_space<vmem_shared>> -> memref<10112x128xf32, #tpu.memory_space<vmem_shared>>
        tpu.wait_indirect_dma semaphore(%run_scoped3A : memref<!tpu.dma_semaphore, #tpu.memory_space<semaphore_mem>>) src(%arg14 : memref<128x128xf32, #tpu.memory_space<vmem>>) dst(%dma_wait3A_82 : memref<10112x128xf32, #tpu.memory_space<vmem_shared>>)
        tpu.yield
      }) : () -> ()
      %dma_wait3A_74 = arith.constant 0 : i32
      %dma_wait3A_75 = arith.constant 0 : i32
      %dma_wait3A_76 = tpu.memref_slice %arg2[%dma_wait3A_74, %dma_wait3A_75] : memref<10000x128xf32, #tpu.memory_space<hbm>> -> memref<10000x128xf32, #tpu.memory_space<hbm>>
      tpu.wait_indirect_dma semaphore(%arg19 : memref<!tpu.dma_semaphore, #tpu.memory_space<semaphore_mem>>) src(%dma_wait3A_76 : memref<10000x128xf32, #tpu.memory_space<hbm>>) dst(%arg15 : memref<128x128xf32, #tpu.memory_space<vmem>>)
      "tpu.region"() ({
        %run_scoped3A = tpu.sem_alloc : memref<!tpu.dma_semaphore, #tpu.memory_space<semaphore_mem>>
        %dma_start3A_77 = arith.constant 0 : i32
        %dma_start3A_78 = arith.constant 0 : i32
        %dma_start3A_79 = tpu.memref_slice %arg16[%dma_start3A_77, %dma_start3A_78] : memref<10112x128xf32, #tpu.memory_space<vmem_shared>> -> memref<10112x128xf32, #tpu.memory_space<vmem_shared>>
        tpu.enqueue_indirect_dma source(%arg15 : memref<128x128xf32, #tpu.memory_space<vmem>>) target(%dma_start3A_79 : memref<10112x128xf32, #tpu.memory_space<vmem_shared>>) offsets(%arg12 : memref<128xi32, #tpu.memory_space<vmem>>) semaphore(%run_scoped3A : memref<!tpu.dma_semaphore, #tpu.memory_space<semaphore_mem>>) {add = true}
        %dma_wait3A_80 = arith.constant 0 : i32
        %dma_wait3A_81 = arith.constant 0 : i32
        %dma_wait3A_82 = tpu.memref_slice %arg16[%dma_wait3A_80, %dma_wait3A_81] : memref<10112x128xf32, #tpu.memory_space<vmem_shared>> -> memref<10112x128xf32, #tpu.memory_space<vmem_shared>>
        tpu.wait_indirect_dma semaphore(%run_scoped3A : memref<!tpu.dma_semaphore, #tpu.memory_space<semaphore_mem>>) src(%arg15 : memref<128x128xf32, #tpu.memory_space<vmem>>) dst(%dma_wait3A_82 : memref<10112x128xf32, #tpu.memory_space<vmem_shared>>)
        tpu.yield
      }) : () -> ()
    }
    %barrier3A_41 = arith.constant 0 : index
    tpu.barrier barrier_id(%barrier3A_41)
    "tpu.region"() ({
      %run_scoped3A = tpu.sem_alloc : memref<!tpu.dma_semaphore, #tpu.memory_space<semaphore_mem>>
      %dma_start3A = arith.constant 0 : i32
      %dma_start3A_42 = tpu.memref_slice %arg6[%arg0, %multiple_of3A, %dma_start3A] : memref<2x10112x128xf32, #tpu.memory_space<hbm>> -> memref<1x632x128xf32, #tpu.memory_space<hbm>>
      %dma_start3A_43 = tpu.memref_squeeze %dma_start3A_42 : memref<1x632x128xf32, #tpu.memory_space<hbm>> -> memref<632x128xf32, #tpu.memory_space<hbm>>
      %dma_start3A_44 = arith.constant 0 : i32
      %dma_start3A_45 = tpu.memref_slice %arg16[%multiple_of3A, %dma_start3A_44] : memref<10112x128xf32, #tpu.memory_space<vmem_shared>> -> memref<632x128xf32, #tpu.memory_space<vmem_shared>>
      tpu.enqueue_dma source(%dma_start3A_45 : memref<632x128xf32, #tpu.memory_space<vmem_shared>>) target(%dma_start3A_43 : memref<632x128xf32, #tpu.memory_space<hbm>>) target_semaphore(%run_scoped3A : memref<!tpu.dma_semaphore, #tpu.memory_space<semaphore_mem>>)
      %dma_wait3A = arith.constant 0 : i32
      %dma_wait3A_46 = tpu.memref_slice %arg6[%arg0, %multiple_of3A, %dma_wait3A] : memref<2x10112x128xf32, #tpu.memory_space<hbm>> -> memref<1x632x128xf32, #tpu.memory_space<hbm>>
      %dma_wait3A_47 = tpu.memref_squeeze %dma_wait3A_46 : memref<1x632x128xf32, #tpu.memory_space<hbm>> -> memref<632x128xf32, #tpu.memory_space<hbm>>
      %dma_wait3A_48 = arith.constant 0 : i32
      %dma_wait3A_49 = tpu.memref_slice %arg16[%multiple_of3A, %dma_wait3A_48] : memref<10112x128xf32, #tpu.memory_space<vmem_shared>> -> memref<632x128xf32, #tpu.memory_space<vmem_shared>>
      tpu.wait_dma2 semaphore(%run_scoped3A : memref<!tpu.dma_semaphore, #tpu.memory_space<semaphore_mem>>) src(%dma_wait3A_49 : memref<632x128xf32, #tpu.memory_space<vmem_shared>>) dst(%dma_wait3A_47 : memref<632x128xf32, #tpu.memory_space<hbm>>)
      tpu.yield
    }) : () -> ()
    return
  }
}

module attributes {stable_mosaic.version = 14 : i64} {
  func.func @body(%arg0: i32, %arg1: memref<1000x128xf32, #tpu.memory_space<vmem>>, %arg2: memref<1x1000x128xf32, #tpu.memory_space<vmem>>, %arg3: memref<1x1000x128xf32, #tpu.memory_space<vmem>>, %arg4: memref<128x128xf32, #tpu.memory_space<vmem>>, %arg5: memref<1x128xf32, #tpu.memory_space<vmem>>, %arg6: memref<128x128xf32, #tpu.memory_space<vmem>>, %arg7: memref<1x128xf32, #tpu.memory_space<vmem>>, %arg8: memref<1000x128xf32, #tpu.memory_space<vmem>>) attributes {dimension_semantics = [#tpu.dimension_semantics<arbitrary>], iteration_bounds = array<i64: 10>, scalar_prefetch = 0 : i64, scratch_operands = 0 : i64, tpu.core_type = #tpu.core_type<tc>, window_params = [{transform_indices = @transform_0, window_bounds = array<i64: 1000, 128>}, {transform_indices = @transform_1, window_bounds = array<i64: 1, 1000, 128>}, {transform_indices = @transform_2, window_bounds = array<i64: 1, 1000, 128>}, {pipeline_mode = #tpu.pipeline_mode<synchronous>, transform_indices = @transform_3, window_bounds = array<i64: 128, 128>}, {pipeline_mode = #tpu.pipeline_mode<synchronous>, transform_indices = @transform_4, window_bounds = array<i64: 1, 128>}, {pipeline_mode = #tpu.pipeline_mode<synchronous>, transform_indices = @transform_5, window_bounds = array<i64: 128, 128>}, {pipeline_mode = #tpu.pipeline_mode<synchronous>, transform_indices = @transform_6, window_bounds = array<i64: 1, 128>}, {transform_indices = @transform_7, window_bounds = array<i64: 1000, 128>}]} {
    %get3A = arith.constant 0 : index
    %get3A_0 = arith.constant 0 : index
    %get3A_1 = vector.load %arg1[%get3A, %get3A_0] : memref<1000x128xf32, #tpu.memory_space<vmem>>, vector<1000x128xf32>
    %get3A_2 = arith.constant 0 : index
    %get3A_3 = arith.constant 0 : index
    %get3A_4 = arith.constant 0 : index
    %get3A_5 = vector.load %arg2[%get3A_2, %get3A_3, %get3A_4] : memref<1x1000x128xf32, #tpu.memory_space<vmem>>, vector<1x1000x128xf32>
    %get3A_6 = vector.shape_cast %get3A_5 : vector<1x1000x128xf32> to vector<1000x128xf32>
    %add3A = arith.addf %get3A_1, %get3A_6 : vector<1000x128xf32>
    %get3A_7 = arith.constant 0 : index
    %get3A_8 = arith.constant 0 : index
    %get3A_9 = arith.constant 0 : index
    %get3A_10 = vector.load %arg3[%get3A_7, %get3A_8, %get3A_9] : memref<1x1000x128xf32, #tpu.memory_space<vmem>>, vector<1x1000x128xf32>
    %get3A_11 = vector.shape_cast %get3A_10 : vector<1x1000x128xf32> to vector<1000x128xf32>
    %add3A_12 = arith.addf %add3A, %get3A_11 : vector<1000x128xf32>
    %get3A_13 = arith.constant 0 : index
    %get3A_14 = arith.constant 0 : index
    %get3A_15 = vector.load %arg4[%get3A_13, %get3A_14] : memref<128x128xf32, #tpu.memory_space<vmem>>, vector<128x128xf32>
    %dot_general3A = arith.constant dense<0.000000e+00> : vector<1000x128xf32>
    %dot_general3A_16 = tpu.matmul %add3A_12, %get3A_15, %dot_general3A {dimension_numbers = #tpu.dot_dimension_numbers<[1], [0], [0], [1], [0, 0, 1, 1], [], []>, transpose_lhs_hint = false} : vector<1000x128xf32>, vector<128x128xf32>, vector<1000x128xf32> -> vector<1000x128xf32>
    %get3A_17 = arith.constant 0 : index
    %get3A_18 = arith.constant 0 : index
    %get3A_19 = vector.load %arg5[%get3A_17, %get3A_18] : memref<1x128xf32, #tpu.memory_space<vmem>>, vector<1x128xf32>
    %add3A_20 = vector.broadcast %get3A_19 : vector<1x128xf32> to vector<1000x128xf32>
    %add3A_21 = arith.addf %dot_general3A_16, %add3A_20 : vector<1000x128xf32>
    %max3A = arith.constant 0.000000e+00 : f32
    %max3A_22 = vector.broadcast %max3A : f32 to vector<1000x128xf32>
    %max3A_23 = arith.maximumf %add3A_21, %max3A_22 : vector<1000x128xf32>
    %get3A_24 = arith.constant 0 : index
    %get3A_25 = arith.constant 0 : index
    %get3A_26 = vector.load %arg6[%get3A_24, %get3A_25] : memref<128x128xf32, #tpu.memory_space<vmem>>, vector<128x128xf32>
    %dot_general3A_27 = arith.constant dense<0.000000e+00> : vector<1000x128xf32>
    %dot_general3A_28 = tpu.matmul %max3A_23, %get3A_26, %dot_general3A_27 {dimension_numbers = #tpu.dot_dimension_numbers<[1], [0], [0], [1], [0, 0, 1, 1], [], []>, transpose_lhs_hint = false} : vector<1000x128xf32>, vector<128x128xf32>, vector<1000x128xf32> -> vector<1000x128xf32>
    %get3A_29 = arith.constant 0 : index
    %get3A_30 = arith.constant 0 : index
    %get3A_31 = vector.load %arg7[%get3A_29, %get3A_30] : memref<1x128xf32, #tpu.memory_space<vmem>>, vector<1x128xf32>
    %add3A_32 = vector.broadcast %get3A_31 : vector<1x128xf32> to vector<1000x128xf32>
    %add3A_33 = arith.addf %dot_general3A_28, %add3A_32 : vector<1000x128xf32>
    %max3A_34 = arith.constant 0.000000e+00 : f32
    %max3A_35 = vector.broadcast %max3A_34 : f32 to vector<1000x128xf32>
    %max3A_36 = arith.maximumf %add3A_33, %max3A_35 : vector<1000x128xf32>
    %swap3A = arith.constant 0 : index
    %swap3A_37 = arith.constant 0 : index
    %swap3A_38 = vector.load %arg8[%swap3A, %swap3A_37] : memref<1000x128xf32, #tpu.memory_space<vmem>>, vector<1000x128xf32>
    tpu.vector_store %arg8[%swap3A, %swap3A_37], %max3A_36 {strides = array<i32>} : memref<1000x128xf32, #tpu.memory_space<vmem>>, vector<1000x128xf32>,
    return
  }
  func.func @transform_0(%arg0: i32) -> (i32, i32) {
    %c0_i32 = arith.constant 0 : i32
    %c0_i32_0 = arith.constant 0 : i32
    return %arg0, %c0_i32 : i32, i32
  }
  func.func @transform_1(%arg0: i32) -> (i32, i32, i32) {
    %c0_i32 = arith.constant 0 : i32
    %c0_i32_0 = arith.constant 0 : i32
    %c0_i32_1 = arith.constant 0 : i32
    return %c0_i32, %arg0, %c0_i32_0 : i32, i32, i32
  }
  func.func @transform_2(%arg0: i32) -> (i32, i32, i32) {
    %c1_i32 = arith.constant 1 : i32
    %c0_i32 = arith.constant 0 : i32
    %c0_i32_0 = arith.constant 0 : i32
    return %c1_i32, %arg0, %c0_i32 : i32, i32, i32
  }
  func.func @transform_3(%arg0: i32) -> (i32, i32) {
    %c0_i32 = arith.constant 0 : i32
    %c0_i32_0 = arith.constant 0 : i32
    %c0_i32_1 = arith.constant 0 : i32
    return %c0_i32, %c0_i32_0 : i32, i32
  }
  func.func @transform_4(%arg0: i32) -> (i32, i32) {
    %c0_i32 = arith.constant 0 : i32
    %c0_i32_0 = arith.constant 0 : i32
    %c0_i32_1 = arith.constant 0 : i32
    return %c0_i32, %c0_i32_0 : i32, i32
  }
  func.func @transform_5(%arg0: i32) -> (i32, i32) {
    %c0_i32 = arith.constant 0 : i32
    %c0_i32_0 = arith.constant 0 : i32
    %c0_i32_1 = arith.constant 0 : i32
    return %c0_i32, %c0_i32_0 : i32, i32
  }
  func.func @transform_6(%arg0: i32) -> (i32, i32) {
    %c0_i32 = arith.constant 0 : i32
    %c0_i32_0 = arith.constant 0 : i32
    %c0_i32_1 = arith.constant 0 : i32
    return %c0_i32, %c0_i32_0 : i32, i32
  }
  func.func @transform_7(%arg0: i32) -> (i32, i32) {
    %c0_i32 = arith.constant 0 : i32
    %c0_i32_0 = arith.constant 0 : i32
    return %arg0, %c0_i32 : i32, i32
  }
}

module attributes {stable_mosaic.version = 14 : i64} {
  func.func @body(%arg0: i32, %arg1: memref<1000x128xf32, #tpu.memory_space<vmem>>, %arg2: memref<1x1000x128xf32, #tpu.memory_space<vmem>>, %arg3: memref<1x1000x128xf32, #tpu.memory_space<vmem>>, %arg4: memref<128x128xf32, #tpu.memory_space<vmem>>, %arg5: memref<1x128xf32, #tpu.memory_space<vmem>>, %arg6: memref<128x128xf32, #tpu.memory_space<vmem>>, %arg7: memref<1x128xf32, #tpu.memory_space<vmem>>, %arg8: memref<1000x128xf32, #tpu.memory_space<vmem>>) attributes {dimension_semantics = [#tpu.dimension_semantics<arbitrary>], iteration_bounds = array<i64: 10>, scalar_prefetch = 0 : i64, scratch_operands = 0 : i64, tpu.core_type = #tpu.core_type<tc>, window_params = [{transform_indices = @transform_0, window_bounds = array<i64: 1000, 128>}, {transform_indices = @transform_1, window_bounds = array<i64: 1, 1000, 128>}, {transform_indices = @transform_2, window_bounds = array<i64: 1, 1000, 128>}, {pipeline_mode = #tpu.pipeline_mode<synchronous>, transform_indices = @transform_3, window_bounds = array<i64: 128, 128>}, {pipeline_mode = #tpu.pipeline_mode<synchronous>, transform_indices = @transform_4, window_bounds = array<i64: 1, 128>}, {pipeline_mode = #tpu.pipeline_mode<synchronous>, transform_indices = @transform_5, window_bounds = array<i64: 128, 128>}, {pipeline_mode = #tpu.pipeline_mode<synchronous>, transform_indices = @transform_6, window_bounds = array<i64: 1, 128>}, {transform_indices = @transform_7, window_bounds = array<i64: 1000, 128>}]} {
    %get3A = arith.constant 0 : index
    %get3A_0 = arith.constant 0 : index
    %get3A_1 = vector.load %arg1[%get3A, %get3A_0] : memref<1000x128xf32, #tpu.memory_space<vmem>>, vector<1000x128xf32>
    %get3A_2 = arith.constant 0 : index
    %get3A_3 = arith.constant 0 : index
    %get3A_4 = arith.constant 0 : index
    %get3A_5 = vector.load %arg2[%get3A_2, %get3A_3, %get3A_4] : memref<1x1000x128xf32, #tpu.memory_space<vmem>>, vector<1x1000x128xf32>
    %get3A_6 = vector.shape_cast %get3A_5 : vector<1x1000x128xf32> to vector<1000x128xf32>
    %add3A = arith.addf %get3A_1, %get3A_6 : vector<1000x128xf32>
    %get3A_7 = arith.constant 0 : index
    %get3A_8 = arith.constant 0 : index
    %get3A_9 = arith.constant 0 : index
    %get3A_10 = vector.load %arg3[%get3A_7, %get3A_8, %get3A_9] : memref<1x1000x128xf32, #tpu.memory_space<vmem>>, vector<1x1000x128xf32>
    %get3A_11 = vector.shape_cast %get3A_10 : vector<1x1000x128xf32> to vector<1000x128xf32>
    %add3A_12 = arith.addf %add3A, %get3A_11 : vector<1000x128xf32>
    %get3A_13 = arith.constant 0 : index
    %get3A_14 = arith.constant 0 : index
    %get3A_15 = vector.load %arg4[%get3A_13, %get3A_14] : memref<128x128xf32, #tpu.memory_space<vmem>>, vector<128x128xf32>
    %dot_general3A = arith.constant dense<0.000000e+00> : vector<1000x128xf32>
    %dot_general3A_16 = tpu.matmul %add3A_12, %get3A_15, %dot_general3A {dimension_numbers = #tpu.dot_dimension_numbers<[1], [0], [0], [1], [0, 0, 1, 1], [], []>, transpose_lhs_hint = false} : vector<1000x128xf32>, vector<128x128xf32>, vector<1000x128xf32> -> vector<1000x128xf32>
    %get3A_17 = arith.constant 0 : index
    %get3A_18 = arith.constant 0 : index
    %get3A_19 = vector.load %arg5[%get3A_17, %get3A_18] : memref<1x128xf32, #tpu.memory_space<vmem>>, vector<1x128xf32>
    %add3A_20 = vector.broadcast %get3A_19 : vector<1x128xf32> to vector<1000x128xf32>
    %add3A_21 = arith.addf %dot_general3A_16, %add3A_20 : vector<1000x128xf32>
    %max3A = arith.constant 0.000000e+00 : f32
    %max3A_22 = vector.broadcast %max3A : f32 to vector<1000x128xf32>
    %max3A_23 = arith.maximumf %add3A_21, %max3A_22 : vector<1000x128xf32>
    %get3A_24 = arith.constant 0 : index
    %get3A_25 = arith.constant 0 : index
    %get3A_26 = vector.load %arg6[%get3A_24, %get3A_25] : memref<128x128xf32, #tpu.memory_space<vmem>>, vector<128x128xf32>
    %dot_general3A_27 = arith.constant dense<0.000000e+00> : vector<1000x128xf32>
    %dot_general3A_28 = tpu.matmul %max3A_23, %get3A_26, %dot_general3A_27 {dimension_numbers = #tpu.dot_dimension_numbers<[1], [0], [0], [1], [0, 0, 1, 1], [], []>, transpose_lhs_hint = false} : vector<1000x128xf32>, vector<128x128xf32>, vector<1000x128xf32> -> vector<1000x128xf32>
    %get3A_29 = arith.constant 0 : index
    %get3A_30 = arith.constant 0 : index
    %get3A_31 = vector.load %arg7[%get3A_29, %get3A_30] : memref<1x128xf32, #tpu.memory_space<vmem>>, vector<1x128xf32>
    %add3A_32 = vector.broadcast %get3A_31 : vector<1x128xf32> to vector<1000x128xf32>
    %add3A_33 = arith.addf %dot_general3A_28, %add3A_32 : vector<1000x128xf32>
    %max3A_34 = arith.constant 0.000000e+00 : f32
    %max3A_35 = vector.broadcast %max3A_34 : f32 to vector<1000x128xf32>
    %max3A_36 = arith.maximumf %add3A_33, %max3A_35 : vector<1000x128xf32>
    %swap3A = arith.constant 0 : index
    %swap3A_37 = arith.constant 0 : index
    %swap3A_38 = vector.load %arg8[%swap3A, %swap3A_37] : memref<1000x128xf32, #tpu.memory_space<vmem>>, vector<1000x128xf32>
    tpu.vector_store %arg8[%swap3A, %swap3A_37], %max3A_36 {strides = array<i32>} : memref<1000x128xf32, #tpu.memory_space<vmem>>, vector<1000x128xf32>,
    return
  }
  func.func @transform_0(%arg0: i32) -> (i32, i32) {
    %c0_i32 = arith.constant 0 : i32
    %c0_i32_0 = arith.constant 0 : i32
    return %arg0, %c0_i32 : i32, i32
  }
  func.func @transform_1(%arg0: i32) -> (i32, i32, i32) {
    %c0_i32 = arith.constant 0 : i32
    %c0_i32_0 = arith.constant 0 : i32
    %c0_i32_1 = arith.constant 0 : i32
    return %c0_i32, %arg0, %c0_i32_0 : i32, i32, i32
  }
  func.func @transform_2(%arg0: i32) -> (i32, i32, i32) {
    %c1_i32 = arith.constant 1 : i32
    %c0_i32 = arith.constant 0 : i32
    %c0_i32_0 = arith.constant 0 : i32
    return %c1_i32, %arg0, %c0_i32 : i32, i32, i32
  }
  func.func @transform_3(%arg0: i32) -> (i32, i32) {
    %c0_i32 = arith.constant 0 : i32
    %c0_i32_0 = arith.constant 0 : i32
    %c0_i32_1 = arith.constant 0 : i32
    return %c0_i32, %c0_i32_0 : i32, i32
  }
  func.func @transform_4(%arg0: i32) -> (i32, i32) {
    %c0_i32 = arith.constant 0 : i32
    %c0_i32_0 = arith.constant 0 : i32
    %c0_i32_1 = arith.constant 0 : i32
    return %c0_i32, %c0_i32_0 : i32, i32
  }
  func.func @transform_5(%arg0: i32) -> (i32, i32) {
    %c0_i32 = arith.constant 0 : i32
    %c0_i32_0 = arith.constant 0 : i32
    %c0_i32_1 = arith.constant 0 : i32
    return %c0_i32, %c0_i32_0 : i32, i32
  }
  func.func @transform_6(%arg0: i32) -> (i32, i32) {
    %c0_i32 = arith.constant 0 : i32
    %c0_i32_0 = arith.constant 0 : i32
    %c0_i32_1 = arith.constant 0 : i32
    return %c0_i32, %c0_i32_0 : i32, i32
  }
  func.func @transform_7(%arg0: i32) -> (i32, i32) {
    %c0_i32 = arith.constant 0 : i32
    %c0_i32_0 = arith.constant 0 : i32
    return %arg0, %c0_i32 : i32, i32
  }
}

</mosaic_0001>

<sc_bundles>
// kernel: kernel.6.cloned.1.call-start
scs
__scs_entry_jumppad:
0x0: {  	(pc) =	sbr.rel $0x88, $3  }
0x1: {  	(tag) =	ssettag $0x0;
	lr =	simm.s32 $0x1  }
0x2: {  	[smem:$0x3F97] =	sst lr;
	_ =	strace $0xD0000000  }
0x3: {  	_ = 	snop  }
0x4: {  	_ = 	snop  }
0x5: {  	_ = 	snop  }
0x6: {  	_ = 	snop  }
0x7: {  	_ = 	snop  }
__scs_overlays_trampoline_lowered:
0x8: {  	[smem:$0x3FA6] =	sst s0  }
0x9: {  	[smem:$0x3FA7] =	sst s1  }
0xa: {  	[smem:$0x3FA8] =	sst s2  }
0xb: {  	[smem:$0x3FA9] =	sst s3  }
0xc: {  	[smem:$0x3FAA] =	sst s4  }
0xd: {  	[smem:$0x3FAB] =	sst s5  }
0xe: {  	[smem:$0x3FAC] =	sst s6  }
0xf: {  	[smem:$0x3FAD] =	sst s7  }
0x10: {  	[smem:$0x3FAE] =	sst s8  }
0x11: {  	[smem:$0x3FAF] =	sst s9;
	s0 =	simm.s32 @!p0 $0x0  }
0x12: {  	s1 =	sld [smem:$0x3F95];
	s0 =	simm.s32 @p0 $0x1  }
0x13: {  	[smem:$0x3FB0] =	sst s0;
	s0 =	simm.s32 @!p1 $0x0  }
0x14: {  	s2 =	sld [smem:$0x3F94];
	s0 =	simm.s32 @p1 $0x1  }
0x15: {  	[smem:$0x3FB1] =	sst s0;
	s0 =	simm.s32 @!p2 $0x0  }
0x16: {  	s3 =	sld [smem:$0x3FDB];
	s0 =	simm.s32 @p2 $0x1  }
0x17: {  	s4 =	simm.s32 $0x1BF5;
	[smem:$0x3FB3] =	sst s0  }
0x18: {  	s0 =	sld [smem:$0x3F96];
	_ =	swait.ge [sflag:s4], $0x0  }
0x19: {  	s7 =	sld [smem:$0x3F97]  }
0x1a: {  	s8 =	sadd.s32 $0xFFFFE003, lr  }
0x1b: {  	s9 =	sadd.s32 $0xFFFFFEF7, lr;
	s5 =	simm.s32 $0xFFFFFFFF;
	p2 =	slt.u32 s8, $0xFFFFF086  }
0x1c: {  	p1 =	slt.u32 s9, $0xF7A;
	s5 =	simm.s32 @!p2 $0x0  }
0x1d: {  	s5 =	simm.s32 @p1 $0x1;
	p0 =	seq.s32 s7, s2  }
0x1e: {  	s7 =	smul.u32 @!p0 $0xF7A, s2;
	p2 =	seq.s32 @!p0 s5, $0x0  }
0x1f: {  	s9 =	smul.u32 $0xF7A, s1;
	s8 =	simm.s32 @!p0 $0x1BF5;
	p2 =	por !p2, p0  }
0x20: {  	[sflag:s8] =	ssyncset.s32 @!p0 $0xFFFFF086;
	s6 =	sadd.s32 @!p0 s3, s7;
	s7 =	simm.s32 @!p0 $0x108  }
0x21: {  	s3 =	sadd.s32 s3, s9;
	s6 =	sadd.s32 @!p0 $0x88, s6;
	s7 =	simm.s32 @p2 $0x1082  }
0x22: {  	[simem:s7], [sflag:s8] =	dma.local @!p0 [hbm:s6], $0xF7A  }
0x23: {  	s9 =	sor.u32 $0xD0000000, s2;
	s6 =	simm.s32 $0x108;
	_ =	swait.ge @!p0 [sflag:s8], $0x0  }
0x24: {  	s3 =	sadd.s32 $0x88, s3;
	s6 =	simm.s32 @!p1 $0x1082;
	[sflag:s4] =	ssyncset.s32 $0xFFFFF086  }
0x25: {  	[simem:s6], [sflag:s4] =	dma.local [hbm:s3], $0xF7A  }
0x26: {  	[smem:$0x3F97] =	sst s1;
	(tag) =	ssettag s2;
	_ =	strace s9  }
0x27: {  	s1 =	sld [smem:$0x3FA7]  }
0x28: {  	s2 =	sld [smem:$0x3FA8]  }
0x29: {  	s4 =	sld [smem:$0x3FAA]  }
0x2a: {  	p0 =	seq.s32 s5, $0x0;
	s5 =	sld [smem:$0x3FAB]  }
0x2b: {  	s6 =	sld [smem:$0x3FAC]  }
0x2c: {  	s7 =	sld [smem:$0x3FAD]  }
0x2d: {  	s3 =	simm.s32 $0x108;
	s8 =	sld [smem:$0x3FAE]  }
0x2e: {  	s3 =	simm.s32 @!p0 $0x1082;
	s9 =	sld [smem:$0x3FAF]  }
0x2f: {  	lr =	sadd.s32 s0, s3;
	s0 =	sld [smem:$0x3FA6]  }
0x30: {  	s3 =	sld [smem:$0x3FA9]  }
0x31: {  	[smem:$0x3FB2] =	sst s10  }
0x32: {  	s10 =	sld [smem:$0x3FB0];
	_ =	sdelay $0x3  }
0x33: {  	p0 =	seq.s32 s10, $0x1;
	s10 =	sld [smem:$0x3FB2];
	_ =	sdelay $0x3  }
0x34: {  	[smem:$0x3FB2] =	sst s10  }
0x35: {  	s10 =	sld [smem:$0x3FB1];
	_ =	sdelay $0x3  }
0x36: {  	p1 =	seq.s32 s10, $0x1;
	s10 =	sld [smem:$0x3FB2];
	_ =	sdelay $0x3  }
0x37: {  	[smem:$0x3FB2] =	sst s10  }
0x38: {  	s10 =	sld [smem:$0x3FB3]  }
0x39: {  	_ = 	snop;
	(pc) =	sbr.ind lr, $3  }
0x3a: {  	_ = 	snop  }
0x3b: {  	_ = 	snop  }
0x3c: {  	p2 =	seq.s32 s10, $0x1;
	s10 =	sld [smem:$0x3FB2]  }
0x3d: {  	_ =	shalt  }
0x3e: {  	_ =	shalt  }
0x3f: {  	_ =	shalt  }
0x40: {  	_ =	shalt  }
0x41: {  	_ =	shalt  }
0x42: {  	_ =	shalt  }
0x43: {  	_ =	shalt  }
0x44: {  	_ =	shalt  }
0x45: {  	_ =	shalt  }
0x46: {  	_ =	shalt  }
0x47: {  	_ =	shalt  }
0x48: {  	_ =	shalt  }
0x49: {  	_ =	shalt  }
0x4a: {  	_ =	shalt  }
0x4b: {  	_ =	shalt  }
0x4c: {  	_ =	shalt  }
0x4d: {  	_ =	shalt  }
0x4e: {  	_ =	shalt  }
0x4f: {  	_ =	shalt  }
0x50: {  	_ =	shalt  }
0x51: {  	_ =	shalt  }
0x52: {  	_ =	shalt  }
0x53: {  	_ =	shalt  }
0x54: {  	_ =	shalt  }
0x55: {  	_ =	shalt  }
0x56: {  	_ =	shalt  }
0x57: {  	_ =	shalt  }
0x58: {  	_ =	shalt  }
0x59: {  	_ =	shalt  }
0x5a: {  	_ =	shalt  }
0x5b: {  	_ =	shalt  }
0x5c: {  	_ =	shalt  }
0x5d: {  	_ =	shalt  }
0x5e: {  	_ =	shalt  }
0x5f: {  	_ =	shalt  }
0x60: {  	_ =	shalt  }
0x61: {  	_ =	shalt  }
0x62: {  	_ =	shalt  }
0x63: {  	_ =	shalt  }
0x64: {  	_ =	shalt  }
0x65: {  	_ =	shalt  }
0x66: {  	_ =	shalt  }
0x67: {  	_ =	shalt  }
0x68: {  	_ =	shalt  }
0x69: {  	_ =	shalt  }
0x6a: {  	_ =	shalt  }
0x6b: {  	_ =	shalt  }
0x6c: {  	_ =	shalt  }
0x6d: {  	_ =	shalt  }
0x6e: {  	_ =	shalt  }
0x6f: {  	_ =	shalt  }
0x70: {  	_ =	shalt  }
0x71: {  	_ =	shalt  }
0x72: {  	_ =	shalt  }
0x73: {  	_ =	shalt  }
0x74: {  	_ =	shalt  }
0x75: {  	_ =	shalt  }
0x76: {  	_ =	shalt  }
0x77: {  	_ =	shalt  }
0x78: {  	_ =	shalt  }
0x79: {  	_ =	shalt  }
0x7a: {  	_ =	shalt  }
0x7b: {  	_ =	shalt  }
0x7c: {  	_ =	shalt  }
0x7d: {  	_ =	shalt  }
0x7e: {  	_ =	shalt  }
0x7f: {  	_ =	shalt  }
0x80: {  	_ =	shalt  }
0x81: {  	_ =	shalt  }
0x82: {  	_ =	shalt  }
0x83: {  	_ =	shalt  }
0x84: {  	_ =	shalt  }
0x85: {  	_ =	shalt  }
0x86: {  	_ =	shalt  }
0x87: {  	_ =	shalt  }
.Lfunc_end0:
.L_simem_size_0:
called_computation_lowered:
.L_overlay_start_0:
0x88: {  	s2 =	sld [smem:$0x3FD9]  }
0x89: {  	s3 =	sld [smem:$0x3FFE];
	_ =	sdelay $0x1  }
0x8a: {  	s1 =	srdreg.scid  }
0x8b: {  	s0 =	sand.u32 $0x1, s1  }
0x8c: {  	s17 =	sshll.u32 s0, $0xA;
	s2 =	sadd.s32 s3, s2  }
0x8d: {  	s2 =	sadd.s32 s2, s17  }
0x8e: {  	[smem:$0x3FBE] =	sst s2  }
0x8f: {  	_ = 	snop  }
0x90: {  	s2 =	sld [smem:$0x3FC9];
	(tm) =	ssettm $0x1  }
0x91: {  	s18 =	sld [smem:$0x3FFB];
	_ =	sdelay $0x3  }
0x92: {  	_ =	strace s18  }
0x93: {  	s3 =	sld [smem:$0x3FFC];
	_ =	sdelay $0x3  }
0x94: {  	_ =	strace s3  }
0x95: {  	s3 =	sld [smem:$0x3FFD];
	_ =	sdelay $0x3  }
0x96: {  	_ =	strace s3  }
0x97: {  	_ =	strace $0x8FFFFFFF  }
0x98: {  	s19 =	sld [smem:$0x3FDB];
	_ =	sdelay $0x1  }
0x99: {  	s4 =	simm.s32 $_scs_section_size  }
0x9a: {  	s5 =	simm.s32 $_size__tile_overlayer_lowered;
	s6 =	simm.s32 $_tile_overlayer_lowered  }
0x9b: {  	s22 =	simm.s32 $0x1BFF;
	s21 =	sshll.u32 s6, $0x1;
	s3 =	sadd.s32 s4, s19  }
0x9c: {  	s7 =	simm.s32 $0x0;
	s20 =	sshll.u32 s5, $0x1;
	s5 =	sadd.s32 s21, s3  }
0x9d: {  	[timem:s7], [sflag:s22] =	dma.local [hbm:s5], s20  }
0x9e: {  	_ =	swait.ge [sflag:s22], s20  }
0x9f: {  	s4 =	ssub.s32 $0x0, s20;
	[sflag:s22] =	ssyncset.done $0x0  }
0xa0: {  	[sflag:s22] =	ssyncadd.s32 s4;
	_ =	sdelay $0x1  }
0xa1: {  	s23 =	simm.s32 $0x1B8B  }
0xa2: {  	_ =	swait.ge [sflag:s23], $0x1  }
0xa3: {  	[sflag:s23] =	ssyncset.done $0x0  }
0xa4: {  	s25 =	simm.s32 $0x1B8E;
	s24 =	sld [smem:$0x3FFE];
	[sflag:s23] =	ssyncadd.s32 $0xFFFFFFFF  }
0xa5: {  	s26 =	simm.s32 $execute0_lowered;
	[smem:$0x3FD2] =	sst s25  }
0xa6: {  	s5 =	sshll.u32 s26, $0x1;
	_ =	strace $0x80000046;
	[dreg:$0x1] =	wrdreg $0xFFFFFFFF  }
0xa7: {  	s28 =	simm.s32 $_size_execute0_lowered;
	s3 =	sadd.s32 s3, s5;
	[dreg:$0x0] =	wrdreg $0x0  }
0xa8: {  	s5 =	sshll.u32 s28, $0x1;
	[dreg:$0x2] =	wrdreg s3  }
0xa9: {  	[dreg:$0x3] =	wrdreg s5  }
0xaa: {  	[dreg:$0x4] =	wrdreg $0xC0  }
0xab: {  	_ =	task [dreg:s7], $0x5FFFF  }
0xac: {  	[dreg:$0x1] =	wrdreg $0xFFFFFFFF  }
0xad: {  	[dreg:$0x0] =	wrdreg $0x60  }
0xae: {  	[dreg:$0x2] =	wrdreg s2  }
0xaf: {  	[dreg:$0x3] =	wrdreg s24  }
0xb0: {  	[dreg:$0x4] =	wrdreg $0xC3000  }
0xb1: {  	[dreg:$0x5] =	wrdreg $0x9  }
0xb2: {  	_ =	task.clear_ibuf [dreg:s7], $0x6FFFF;
	_ =	strace $0x90000046  }
0xb3: {  	s29 =	simm.s32 $0x9;
	_ =	strace $0x80000048  }
0xb4: {  	_ =	swait.ge [sflag:s29], $0x1  }
0xb5: {  	[sflag:s29] =	ssyncadd.s32 $0xFFFFFFFF  }
0xb6: {  	_ =	strace $0x90000048  }
0xb7: {  	_ =	sfence  }
0xb8: {  	s30 =	sld [smem:$0x0];
	_ =	sdelay $0x2  }
0xb9: {  	s31 =	sshll.u32 s1, $0xD;
	s1 =	sshrl.u32 s1, $0x2  }
0xba: {  	s3 =	sand.u32 $0x4000, s31;
	s1 =	sadd.s32 s1, s30  }
0xbb: {  	s0 =	sor.u32 s3, s0;
	s1 =	sshll.u32 s1, $0x11  }
0xbc: {  	s0 =	sor.u32 s1, s0  }
0xbd: {  	s0 =	sadd.s32 $0x8F2B, s0  }
0xbe: {  	[sflag:s0] =	ssyncadd.remote.s32 $0x1  }
0xbf: {  	_ =	sfence.sel $0xFFFF  }
0xc0: {  	[dreg:$0x0] =	wrdreg $0xFFFFFFFF;
	(pc) =	sbr.abs _section_cstart, $3  }
0xc1: {  	[dreg:$0x1] =	wrdreg $0xFFFFFFFF  }
0xc2: {  	_ =	task.clear_ibuf [dreg:s7], $0x2FFFF;
	_ =	strace $0x9FFFFFFF  }
0xc3: {  	(tm) =	ssettm $0x7FFFFFFF  }
tec
execute0_lowered:
.L_overlay_start_1:
0x0: {  	(tag) =	ssettag $0x1  }
0x1: {  	s1 =	rddreg [dreg:$0x0]  }
0x2: {  	s5 =	rddreg [dreg:$0x1];
	s0 =	stileid.u32  }
0x3: {  	s2 =	srdreg.scid;
	s3 =	rddreg [dreg:$0x2]  }
0x4: {  	s14 =	simm.s32 $0x80;
	s15 =	simm.s32 $0x300;
	s16 =	simm.s32 $0x180  }
0x5: {  	s17 =	simm.s32 $0x4300;
	s18 =	simm.s32 $0x200;
	s19 =	simm.s32 $0x100  }
0x6: {  	s20 =	simm.s32 $0x8300;
	s21 =	simm.s32 $0x280;
	s4 =	smul.u32 $0x36, s0  }
0x7: {  	s22 =	simm.s32 $0x1;
	s23 =	simm.s32 $0x2;
	s7 =	smul.u32 $0x69, s0  }
0x8: {  	s24 =	simm.s32 $0x3;
	s25 =	simm.s32 $0x0;
	s26 =	smul.u32 $0x13C00, s0  }
0x9: {  	s6 =	sand.u32 $0x1, s2;
	s2 =	rddreg [dreg:$0x3];
	s29 =	smul.u32 $0x4F000, s0  }
0xa: {  	s31 =	sshll.u32 s0, $0x6;
	p0 =	seq.s32 s6, $0x0;
	s9 =	smul.u32 $0x13C000, s6  }
0xb: {  	s6 =	ssub.s32 $0x2, s6;
	s8 =	sadd.s32 $0x690, s4;
	s4 =	simm.s32 $0x0  }
0xc: {  	s28 =	sshrl.u32 s26, $0x3;
	s10 =	sshrl.u32 s6, $0x1;
	s30 =	sshrl.u32 s29, $0x2  }
0xd: {  	s8 =	smov.u32 @p0 s7;
	[smem:$0x7FF] =	sst s4;
	s7 =	sadd.s32 s26, s9  }
0xe: {  	s10 =	ssub.s32 s6, s10;
	s13 =	sadd.s32 s30, s3;
	s8 =	sshll.u32 s8, $0x4  }
0xf: {  	_ =	strace $0x80000047;
	s7 =	sshrl.u32 s7, $0x3;
	s9 =	smax.u32 s10, $0x1  }
0x10: {  	s11 =	sadd.s32 s8, s5;
	s8 =	sadd.s32 s28, s5;
	s12 =	sadd.s32 s7, s5  }
0x11: {  	s5 =	simm.s32 $0x690;
	s7 =	sor.u32 $0x1C04, s31;
	s6 =	sadd.s32 $0x16200, s8  }
0x12: {  	s5 =	simm.s32 @!p0 $0x360;
	s8 =	sadd.s32 $0x3DA00, s12;
	s10 =	sadd.s32 $0x2200, s11  }
0x13: {  	s11 =	sadd.s32 $0xC200, s11;
	s12 =	sshrl.u32 s13, $0x3;
	s13 =	simm.s32 $0x4  }
.LBB2_1:
0x14: {  	[spmem:s12], [sflag:s7] =	dma.local [hbm:s6], $0x2780  }
0x15: {  	p1 =	sne.s32 s5, $0x30  }
.Ltmp0:
0x16: {  	_ =	swait.ge [sflag:s13], $0x2780;
	(pc) =	sbr.rel @!p1 .LBB2_6-.Ltmp0, $4  }
0x17: {  	[sflag:s13] =	ssyncset.done $0x0  }
0x18: {  	[sflag:s13] =	ssyncadd.s32 $0xFFFFD880  }
0x19: {  	[bflag:$0x0] =	sbarrier.arrive $0xFFFF  }
0x1a: {  	s26 =	simm.s32 $0x30;
	p0 =	por $0x0, $0x0;
	s28 =	simm.s32 $0x0  }
0x1b: {  	s28 =	sadd.s32 $0x0, s11  }
0x1c: {  	[tilespmem:s4], [sflag:$0x4] =	stream.linear.gather [hbm4b:s28+s4], $0x80, $0x38;
	[tilespmem:$0x1FF00] =	vst v63  }
0x1d: {  	_ =	swait.ge [sflag:s13], $0x80  }
0x1e: {  	[sflag:s13] =	ssyncset.done $0x0  }
0x1f: {  	[sflag:s13] =	ssyncadd.s32 $0xFFFFFF80  }
0x20: {  	[tilespmem:s15], [sflag:$0x1] =	stream.indirect.gather [hbm4b:s1+s14], $0x80, s4, s14, $0xb8;
	[tilespmem:$0x1FF00] =	vst v63  }
0x21: {  	s29 =	sadd.s32 $0x0, s10  }
0x22: {  	[tilespmem:s16], [sflag:$0x4] =	stream.linear.gather [hbm4b:s29+s4], $0x80, $0x38;
	[tilespmem:$0x1FF00] =	vst v63  }
0x23: {  	_ =	swait.ge [sflag:s13], $0x80  }
0x24: {  	[sflag:s13] =	ssyncset.done $0x0  }
0x25: {  	s30 =	sadd.s32 $0x10, s28;
	[sflag:s13] =	ssyncadd.s32 $0xFFFFFF80  }
0x26: {  	[tilespmem:s14], [sflag:$0x4] =	stream.linear.gather [hbm4b:s30+s4], $0x80, $0x38;
	[tilespmem:$0x1FF00] =	vst v63  }
0x27: {  	_ =	swait.ge [sflag:s13], $0x80  }
0x28: {  	[sflag:s13] =	ssyncset.done $0x0  }
0x29: {  	[sflag:s13] =	ssyncadd.s32 $0xFFFFFF80  }
0x2a: {  	[tilespmem:s17], [sflag:$0x2] =	stream.indirect.gather [hbm4b:s1+s14], $0x80, s14, s14, $0xb8;
	[tilespmem:$0x1FF00] =	vst v63  }
0x2b: {  	s31 =	sadd.s32 $0x10, s29  }
0x2c: {  	[tilespmem:s18], [sflag:$0x4] =	stream.linear.gather [hbm4b:s31+s4], $0x80, $0x38;
	[tilespmem:$0x1FF00] =	vst v63  }
0x2d: {  	_ =	swait.ge [sflag:s13], $0x80  }
0x2e: {  	[sflag:s13] =	ssyncset.done $0x0  }
0x2f: {  	s28 =	sadd.s32 $0x20, s28;
	[sflag:s13] =	ssyncadd.s32 $0xFFFFFF80  }
0x30: {  	[tilespmem:s19], [sflag:$0x4] =	stream.linear.gather [hbm4b:s28+s4], $0x80, $0x38;
	[tilespmem:$0x1FF00] =	vst v63  }
0x31: {  	_ =	swait.ge [sflag:s13], $0x80  }
0x32: {  	[sflag:s13] =	ssyncset.done $0x0  }
0x33: {  	[sflag:s13] =	ssyncadd.s32 $0xFFFFFF80  }
0x34: {  	[tilespmem:s20], [sflag:$0x3] =	stream.indirect.gather [hbm4b:s1+s14], $0x80, s19, s14, $0xb8;
	[tilespmem:$0x1FF00] =	vst v63  }
0x35: {  	s28 =	sadd.s32 $0x20, s29  }
0x36: {  	[tilespmem:s21], [sflag:$0x4] =	stream.linear.gather [hbm4b:s28+s4], $0x80, $0x38;
	[tilespmem:$0x1FF00] =	vst v63  }
0x37: {  	_ =	swait.ge [sflag:s13], $0x80  }
0x38: {  	[sflag:s13] =	ssyncset.done $0x0  }
0x39: {  	[sflag:s13] =	ssyncadd.s32 $0xFFFFFF80  }
0x3a: {  	_ =	swait.ge [sflag:s22], $0x4000  }
0x3b: {  	[sflag:s22] =	ssyncset.done $0x0  }
0x3c: {  	[sflag:s22] =	ssyncadd.s32 $0xFFFFC000  }
0x3d: {  	[spmem:s3] =	stream.indirect.scatter.add.f32 [tilespmem:s15], [sflag:$0x4], $0x80, s16, s14, $0xb8;
	[tilespmem:$0x1FF00] =	vst v63  }
0x3e: {  	_ =	swait.ge [sflag:s13], $0x4000  }
0x3f: {  	[sflag:s13] =	ssyncset.done $0x0  }
0x40: {  	[sflag:s13] =	ssyncadd.s32 $0xFFFFC000  }
0x41: {  	_ =	swait.ge [sflag:s23], $0x4000  }
0x42: {  	[sflag:s23] =	ssyncset.done $0x0  }
0x43: {  	[sflag:s23] =	ssyncadd.s32 $0xFFFFC000  }
0x44: {  	[spmem:s3] =	stream.indirect.scatter.add.f32 [tilespmem:s17], [sflag:$0x4], $0x80, s18, s14, $0xb8;
	[tilespmem:$0x1FF00] =	vst v63  }
0x45: {  	_ =	swait.ge [sflag:s13], $0x4000  }
0x46: {  	[sflag:s13] =	ssyncset.done $0x0  }
0x47: {  	[sflag:s13] =	ssyncadd.s32 $0xFFFFC000  }
0x48: {  	p1 =	sne.s32 s5, $0x60;
	_ =	swait.ge [sflag:s24], $0x4000  }
.Ltmp1:
0x49: {  	[sflag:s24] =	ssyncset.done $0x0;
	(pc) =	sbr.rel @!p1 .LBB2_3-.Ltmp1, $4  }
0x4a: {  	[sflag:s24] =	ssyncadd.s32 $0xFFFFC000  }
0x4b: {  	[spmem:s3] =	stream.indirect.scatter.add.f32 [tilespmem:s20], [sflag:$0x4], $0x80, s21, s14, $0xb8;
	[tilespmem:$0x1FF00] =	vst v63  }
0x4c: {  	_ =	swait.ge [sflag:s13], $0x4000  }
0x4d: {  	p0 =	por $0x1, $0x1;
	s28 =	simm.s32 $0x60;
	[sflag:s13] =	ssyncset.done $0x0  }
.LBB2_4:
0x4e: {  	s29 =	sadd.s32 s26, s11  }
0x4f: {  	[sflag:s13] =	ssyncadd.s32 $0xFFFFC000;
	s30 =	smov.u32 s28;
	s28 =	sadd.s32 $0x30, s28  }
0x50: {  	[tilespmem:s4], [sflag:$0x4] =	stream.linear.gather [hbm4b:s29+s4], $0x80, $0x38;
	[tilespmem:$0x1FF00] =	vst v63  }
0x51: {  	p1 =	sne.s32 s5, s28;
	_ =	swait.ge [sflag:s13], $0x80  }
0x52: {  	[sflag:s13] =	ssyncset.done $0x0  }
0x53: {  	[sflag:s13] =	ssyncadd.s32 $0xFFFFFF80  }
0x54: {  	[tilespmem:s15], [sflag:$0x1] =	stream.indirect.gather [hbm4b:s1+s14], $0x80, s4, s14, $0xb8;
	[tilespmem:$0x1FF00] =	vst v63  }
0x55: {  	s31 =	sadd.s32 s26, s10;
	s26 =	smov.u32 s30  }
0x56: {  	[tilespmem:s16], [sflag:$0x4] =	stream.linear.gather [hbm4b:s31+s4], $0x80, $0x38;
	[tilespmem:$0x1FF00] =	vst v63  }
0x57: {  	_ =	swait.ge [sflag:s13], $0x80  }
0x58: {  	[sflag:s13] =	ssyncset.done $0x0  }
0x59: {  	s30 =	sadd.s32 $0x10, s29;
	[sflag:s13] =	ssyncadd.s32 $0xFFFFFF80  }
0x5a: {  	[tilespmem:s14], [sflag:$0x4] =	stream.linear.gather [hbm4b:s30+s4], $0x80, $0x38;
	[tilespmem:$0x1FF00] =	vst v63  }
0x5b: {  	_ =	swait.ge [sflag:s13], $0x80  }
0x5c: {  	[sflag:s13] =	ssyncset.done $0x0  }
0x5d: {  	[sflag:s13] =	ssyncadd.s32 $0xFFFFFF80  }
0x5e: {  	[tilespmem:s17], [sflag:$0x2] =	stream.indirect.gather [hbm4b:s1+s14], $0x80, s14, s14, $0xb8;
	[tilespmem:$0x1FF00] =	vst v63  }
0x5f: {  	s30 =	sadd.s32 $0x10, s31  }
0x60: {  	[tilespmem:s18], [sflag:$0x4] =	stream.linear.gather [hbm4b:s30+s4], $0x80, $0x38;
	[tilespmem:$0x1FF00] =	vst v63  }
0x61: {  	_ =	swait.ge [sflag:s13], $0x80  }
0x62: {  	[sflag:s13] =	ssyncset.done $0x0  }
0x63: {  	s29 =	sadd.s32 $0x20, s29;
	[sflag:s13] =	ssyncadd.s32 $0xFFFFFF80  }
0x64: {  	[tilespmem:s19], [sflag:$0x4] =	stream.linear.gather [hbm4b:s29+s4], $0x80, $0x38;
	[tilespmem:$0x1FF00] =	vst v63  }
0x65: {  	_ =	swait.ge [sflag:s13], $0x80  }
0x66: {  	[sflag:s13] =	ssyncset.done $0x0  }
0x67: {  	[sflag:s13] =	ssyncadd.s32 $0xFFFFFF80  }
0x68: {  	[tilespmem:s20], [sflag:$0x3] =	stream.indirect.gather [hbm4b:s1+s14], $0x80, s19, s14, $0xb8;
	[tilespmem:$0x1FF00] =	vst v63  }
0x69: {  	s29 =	sadd.s32 $0x20, s31  }
0x6a: {  	[tilespmem:s21], [sflag:$0x4] =	stream.linear.gather [hbm4b:s29+s4], $0x80, $0x38;
	[tilespmem:$0x1FF00] =	vst v63  }
0x6b: {  	_ =	swait.ge [sflag:s13], $0x80  }
0x6c: {  	[sflag:s13] =	ssyncset.done $0x0  }
0x6d: {  	[sflag:s13] =	ssyncadd.s32 $0xFFFFFF80  }
0x6e: {  	_ =	swait.ge [sflag:s22], $0x4000  }
0x6f: {  	[sflag:s22] =	ssyncset.done $0x0  }
0x70: {  	[sflag:s22] =	ssyncadd.s32 $0xFFFFC000  }
0x71: {  	[spmem:s3] =	stream.indirect.scatter.add.f32 [tilespmem:s15], [sflag:$0x4], $0x80, s16, s14, $0xb8;
	[tilespmem:$0x1FF00] =	vst v63  }
0x72: {  	_ =	swait.ge [sflag:s13], $0x4000  }
0x73: {  	[sflag:s13] =	ssyncset.done $0x0  }
0x74: {  	[sflag:s13] =	ssyncadd.s32 $0xFFFFC000  }
0x75: {  	_ =	swait.ge [sflag:s23], $0x4000  }
0x76: {  	[sflag:s23] =	ssyncset.done $0x0  }
0x77: {  	[sflag:s23] =	ssyncadd.s32 $0xFFFFC000  }
0x78: {  	[spmem:s3] =	stream.indirect.scatter.add.f32 [tilespmem:s17], [sflag:$0x4], $0x80, s18, s14, $0xb8;
	[tilespmem:$0x1FF00] =	vst v63  }
0x79: {  	_ =	swait.ge [sflag:s13], $0x4000  }
0x7a: {  	[sflag:s13] =	ssyncset.done $0x0  }
0x7b: {  	[sflag:s13] =	ssyncadd.s32 $0xFFFFC000  }
0x7c: {  	_ =	swait.ge [sflag:s24], $0x4000  }
.Ltmp2:
0x7d: {  	[sflag:s24] =	ssyncset.done $0x0;
	(pc) =	sbr.rel @p1 .LBB2_4-.Ltmp2, $4  }
0x7e: {  	[sflag:s24] =	ssyncadd.s32 $0xFFFFC000  }
0x7f: {  	[spmem:s3] =	stream.indirect.scatter.add.f32 [tilespmem:s20], [sflag:$0x4], $0x80, s21, s14, $0xb8;
	[tilespmem:$0x1FF00] =	vst v63  }
0x80: {  	_ =	swait.ge [sflag:s13], $0x4000  }
0x81: {  	[sflag:s13] =	ssyncset.done $0x0  }
0x82: {  	s28 =	smov.u32 s26  }
.LBB2_6:
0x83: {  	s26 =	sadd.s32 s28, s11;
	[sflag:s13] =	ssyncadd.s32 @p0 $0xFFFFC000  }
0x84: {  	[tilespmem:s4], [sflag:$0x4] =	stream.linear.gather [hbm4b:s26+s4], $0x80, $0x38;
	[tilespmem:$0x1FF00] =	vst v63  }
0x85: {  	_ =	swait.ge [sflag:s13], $0x80  }
0x86: {  	[sflag:s13] =	ssyncset.done $0x0  }
0x87: {  	[sflag:s13] =	ssyncadd.s32 $0xFFFFFF80  }
0x88: {  	[tilespmem:s15], [sflag:$0x1] =	stream.indirect.gather [hbm4b:s1+s14], $0x80, s4, s14, $0xb8;
	[tilespmem:$0x1FF00] =	vst v63  }
0x89: {  	s31 =	sadd.s32 s28, s10  }
0x8a: {  	[tilespmem:s16], [sflag:$0x4] =	stream.linear.gather [hbm4b:s31+s4], $0x80, $0x38;
	[tilespmem:$0x1FF00] =	vst v63  }
0x8b: {  	_ =	swait.ge [sflag:s13], $0x80  }
0x8c: {  	[sflag:s13] =	ssyncset.done $0x0  }
0x8d: {  	s29 =	sadd.s32 $0x10, s26;
	[sflag:s13] =	ssyncadd.s32 $0xFFFFFF80  }
0x8e: {  	[tilespmem:s14], [sflag:$0x4] =	stream.linear.gather [hbm4b:s29+s4], $0x80, $0x38;
	[tilespmem:$0x1FF00] =	vst v63  }
0x8f: {  	_ =	swait.ge [sflag:s13], $0x80  }
0x90: {  	[sflag:s13] =	ssyncset.done $0x0  }
0x91: {  	[sflag:s13] =	ssyncadd.s32 $0xFFFFFF80  }
0x92: {  	[tilespmem:s17], [sflag:$0x2] =	stream.indirect.gather [hbm4b:s1+s14], $0x80, s14, s14, $0xb8;
	[tilespmem:$0x1FF00] =	vst v63  }
0x93: {  	s30 =	sadd.s32 $0x10, s31  }
0x94: {  	[tilespmem:s18], [sflag:$0x4] =	stream.linear.gather [hbm4b:s30+s4], $0x80, $0x38;
	[tilespmem:$0x1FF00] =	vst v63  }
0x95: {  	_ =	swait.ge [sflag:s13], $0x80  }
0x96: {  	[sflag:s13] =	ssyncset.done $0x0  }
0x97: {  	s26 =	sadd.s32 $0x20, s26;
	[sflag:s13] =	ssyncadd.s32 $0xFFFFFF80  }
0x98: {  	[tilespmem:s19], [sflag:$0x4] =	stream.linear.gather [hbm4b:s26+s4], $0x80, $0x38;
	[tilespmem:$0x1FF00] =	vst v63  }
0x99: {  	_ =	swait.ge [sflag:s13], $0x80  }
0x9a: {  	[sflag:s13] =	ssyncset.done $0x0  }
0x9b: {  	[sflag:s13] =	ssyncadd.s32 $0xFFFFFF80  }
0x9c: {  	[tilespmem:s20], [sflag:$0x3] =	stream.indirect.gather [hbm4b:s1+s14], $0x80, s19, s14, $0xb8;
	[tilespmem:$0x1FF00] =	vst v63  }
0x9d: {  	s31 =	sadd.s32 $0x20, s31  }
0x9e: {  	[tilespmem:s21], [sflag:$0x4] =	stream.linear.gather [hbm4b:s31+s4], $0x80, $0x38;
	[tilespmem:$0x1FF00] =	vst v63  }
0x9f: {  	_ =	swait.ge [sflag:s13], $0x80  }
0xa0: {  	[sflag:s13] =	ssyncset.done $0x0  }
0xa1: {  	[sflag:s13] =	ssyncadd.s32 $0xFFFFFF80  }
0xa2: {  	_ =	swait.ge [sflag:s22], $0x4000  }
0xa3: {  	[sflag:s22] =	ssyncset.done $0x0  }
0xa4: {  	[sflag:s22] =	ssyncadd.s32 $0xFFFFC000  }
0xa5: {  	[spmem:s3] =	stream.indirect.scatter.add.f32 [tilespmem:s15], [sflag:$0x4], $0x80, s16, s14, $0xb8;
	[tilespmem:$0x1FF00] =	vst v63  }
0xa6: {  	_ =	swait.ge [sflag:s13], $0x4000  }
0xa7: {  	[sflag:s13] =	ssyncset.done $0x0  }
0xa8: {  	[sflag:s13] =	ssyncadd.s32 $0xFFFFC000  }
0xa9: {  	_ =	swait.ge [sflag:s23], $0x4000  }
0xaa: {  	[sflag:s23] =	ssyncset.done $0x0  }
0xab: {  	[sflag:s23] =	ssyncadd.s32 $0xFFFFC000  }
0xac: {  	[spmem:s3] =	stream.indirect.scatter.add.f32 [tilespmem:s17], [sflag:$0x4], $0x80, s18, s14, $0xb8;
	[tilespmem:$0x1FF00] =	vst v63  }
0xad: {  	_ =	swait.ge [sflag:s13], $0x4000  }
0xae: {  	[sflag:s13] =	ssyncset.done $0x0  }
0xaf: {  	[sflag:s13] =	ssyncadd.s32 $0xFFFFC000  }
0xb0: {  	_ =	swait.ge [sflag:s24], $0x4000  }
0xb1: {  	[sflag:s24] =	ssyncset.done $0x0  }
0xb2: {  	[sflag:s24] =	ssyncadd.s32 $0xFFFFC000  }
0xb3: {  	[spmem:s3] =	stream.indirect.scatter.add.f32 [tilespmem:s20], [sflag:$0x4], $0x80, s21, s14, $0xb8;
	[tilespmem:$0x1FF00] =	vst v63  }
0xb4: {  	_ =	swait.ge [sflag:s13], $0x4000  }
0xb5: {  	[sflag:s13] =	ssyncset.done $0x0  }
0xb6: {  	s25 =	sadd.s32 $0x1, s25;
	[sflag:s13] =	ssyncadd.s32 $0xFFFFC000  }
0xb7: {  	p0 =	sne.s32 s25, s9;
	[bflag:$0x0] =	sbarrier.arrive $0xFFFF  }
0xb8: {  	[hbm:s8], [sflag:s7] =	dma.local [spmem:s12], $0x2780  }
.Ltmp3:
0xb9: {  	_ = 	snop;
	(pc) =	sbr.rel @p0 .LBB2_1-.Ltmp3, $4  }
.Ltmp4:
0xba: {  	_ = 	snop;
	(pc) =	sbr.rel @!p0 .LBB2_7-.Ltmp4, $4  }
0xbb: {  	_ =	swait.ge [sflag:s13], $0x2780  }
0xbc: {  	[sflag:s13] =	ssyncset.done $0x0  }
0xbd: {  	[sflag:s13] =	ssyncadd.s32 $0xFFFFD880  }
0xbe: {  	_ = 	snop  }
.LBB2_3:
.Ltmp5:
0xbf: {  	(pc) =	sbr.rel .LBB2_6-.Ltmp5, $2  }
0xc0: {  	_ =	sdelay $0x2  }
0xc1: {  	s28 =	simm.s32 $0x30  }
.LBB2_7:
0xc2: {  	_ =	sfence.sel $0x180000  }
0xc3: {  	[bflag:$0x0] =	sbarrier.arrive $0xFFFF  }
0xc4: {  	p0 =	sne.s32 s0, $0x0;
	_ =	strace $0x90000047  }
0xc5: {  	s0 =	sadd.s32 @!p0 $0x100000, s2;
	[bflag:$0x2] =	sbarrier.arrive $0xFFFF  }
0xc6: {  	[sflag:s0] =	ssyncadd.tile.s32 @!p0 $0x1;
	_ =	shalt  }
.Lfunc_end2:
_tile_overlayer_lowered:
.L_overlay_start_2:
0xc7: {  	(tag) =	ssettag $0x2  }
0xc8: {  	s0 =	rddreg [dreg:$0x0];
	s2 =	stileid.u32  }
0xc9: {  	s1 =	rddreg [dreg:$0x1];
	p0 =	sne.s32 s2, $0x0  }
0xca: {  	s3 =	rddreg [dreg:$0x2];
	[bflag:$0x3] =	sbarrier.arrive $0xFFFF;
	s2 =	simm.s32 @!p0 $0x1C04  }
0xcb: {  	[timem:s3], [sflag:s2] =	dma.local @!p0 [hbm:s0], s1  }
0xcc: {  	s0 =	simm.s32 @!p0 $0x4  }
0xcd: {  	_ =	swait.ge @!p0 [sflag:s0], s1  }
0xce: {  	s1 =	ssub.s32 @!p0 $0x0, s1;
	[sflag:s0] =	ssyncset.done @!p0 $0x0  }
0xcf: {  	[sflag:s0] =	ssyncadd.s32 @!p0 s1  }
0xd0: {  	[bflag:$0x3] =	sbarrier.arrive $0xFFFF  }
0xd1: {  	_ =	shalt  }

// kernel: kernel.9.cloned.1.call-start
scs
__scs_entry_jumppad:
0x0: {  	(pc) =	sbr.rel $0x88, $3  }
0x1: {  	(tag) =	ssettag $0x0;
	lr =	simm.s32 $0x1  }
0x2: {  	[smem:$0x3F97] =	sst lr;
	_ =	strace $0xD0000000  }
0x3: {  	_ = 	snop  }
0x4: {  	_ = 	snop  }
0x5: {  	_ = 	snop  }
0x6: {  	_ = 	snop  }
0x7: {  	_ = 	snop  }
__scs_overlays_trampoline_lowered:
0x8: {  	[smem:$0x3FA6] =	sst s0  }
0x9: {  	[smem:$0x3FA7] =	sst s1  }
0xa: {  	[smem:$0x3FA8] =	sst s2  }
0xb: {  	[smem:$0x3FA9] =	sst s3  }
0xc: {  	[smem:$0x3FAA] =	sst s4  }
0xd: {  	[smem:$0x3FAB] =	sst s5  }
0xe: {  	[smem:$0x3FAC] =	sst s6  }
0xf: {  	[smem:$0x3FAD] =	sst s7  }
0x10: {  	[smem:$0x3FAE] =	sst s8  }
0x11: {  	[smem:$0x3FAF] =	sst s9;
	s0 =	simm.s32 @!p0 $0x0  }
0x12: {  	s1 =	sld [smem:$0x3F95];
	s0 =	simm.s32 @p0 $0x1  }
0x13: {  	[smem:$0x3FB0] =	sst s0;
	s0 =	simm.s32 @!p1 $0x0  }
0x14: {  	s2 =	sld [smem:$0x3F94];
	s0 =	simm.s32 @p1 $0x1  }
0x15: {  	[smem:$0x3FB1] =	sst s0;
	s0 =	simm.s32 @!p2 $0x0  }
0x16: {  	s3 =	sld [smem:$0x3FDB];
	s0 =	simm.s32 @p2 $0x1  }
0x17: {  	s4 =	simm.s32 $0x1BF5;
	[smem:$0x3FB3] =	sst s0  }
0x18: {  	s0 =	sld [smem:$0x3F96];
	_ =	swait.ge [sflag:s4], $0x0  }
0x19: {  	s7 =	sld [smem:$0x3F97]  }
0x1a: {  	s8 =	sadd.s32 $0xFFFFE003, lr  }
0x1b: {  	s9 =	sadd.s32 $0xFFFFFEF7, lr;
	s5 =	simm.s32 $0xFFFFFFFF;
	p2 =	slt.u32 s8, $0xFFFFF086  }
0x1c: {  	p1 =	slt.u32 s9, $0xF7A;
	s5 =	simm.s32 @!p2 $0x0  }
0x1d: {  	s5 =	simm.s32 @p1 $0x1;
	p0 =	seq.s32 s7, s2  }
0x1e: {  	s7 =	smul.u32 @!p0 $0xF7A, s2;
	p2 =	seq.s32 @!p0 s5, $0x0  }
0x1f: {  	s9 =	smul.u32 $0xF7A, s1;
	s8 =	simm.s32 @!p0 $0x1BF5;
	p2 =	por !p2, p0  }
0x20: {  	[sflag:s8] =	ssyncset.s32 @!p0 $0xFFFFF086;
	s6 =	sadd.s32 @!p0 s3, s7;
	s7 =	simm.s32 @!p0 $0x108  }
0x21: {  	s3 =	sadd.s32 s3, s9;
	s6 =	sadd.s32 @!p0 $0x88, s6;
	s7 =	simm.s32 @p2 $0x1082  }
0x22: {  	[simem:s7], [sflag:s8] =	dma.local @!p0 [hbm:s6], $0xF7A  }
0x23: {  	s9 =	sor.u32 $0xD0000000, s2;
	s6 =	simm.s32 $0x108;
	_ =	swait.ge @!p0 [sflag:s8], $0x0  }
0x24: {  	s3 =	sadd.s32 $0x88, s3;
	s6 =	simm.s32 @!p1 $0x1082;
	[sflag:s4] =	ssyncset.s32 $0xFFFFF086  }
0x25: {  	[simem:s6], [sflag:s4] =	dma.local [hbm:s3], $0xF7A  }
0x26: {  	[smem:$0x3F97] =	sst s1;
	(tag) =	ssettag s2;
	_ =	strace s9  }
0x27: {  	s1 =	sld [smem:$0x3FA7]  }
0x28: {  	s2 =	sld [smem:$0x3FA8]  }
0x29: {  	s4 =	sld [smem:$0x3FAA]  }
0x2a: {  	p0 =	seq.s32 s5, $0x0;
	s5 =	sld [smem:$0x3FAB]  }
0x2b: {  	s6 =	sld [smem:$0x3FAC]  }
0x2c: {  	s7 =	sld [smem:$0x3FAD]  }
0x2d: {  	s3 =	simm.s32 $0x108;
	s8 =	sld [smem:$0x3FAE]  }
0x2e: {  	s3 =	simm.s32 @!p0 $0x1082;
	s9 =	sld [smem:$0x3FAF]  }
0x2f: {  	lr =	sadd.s32 s0, s3;
	s0 =	sld [smem:$0x3FA6]  }
0x30: {  	s3 =	sld [smem:$0x3FA9]  }
0x31: {  	[smem:$0x3FB2] =	sst s10  }
0x32: {  	s10 =	sld [smem:$0x3FB0];
	_ =	sdelay $0x3  }
0x33: {  	p0 =	seq.s32 s10, $0x1;
	s10 =	sld [smem:$0x3FB2];
	_ =	sdelay $0x3  }
0x34: {  	[smem:$0x3FB2] =	sst s10  }
0x35: {  	s10 =	sld [smem:$0x3FB1];
	_ =	sdelay $0x3  }
0x36: {  	p1 =	seq.s32 s10, $0x1;
	s10 =	sld [smem:$0x3FB2];
	_ =	sdelay $0x3  }
0x37: {  	[smem:$0x3FB2] =	sst s10  }
0x38: {  	s10 =	sld [smem:$0x3FB3]  }
0x39: {  	_ = 	snop;
	(pc) =	sbr.ind lr, $3  }
0x3a: {  	_ = 	snop  }
0x3b: {  	_ = 	snop  }
0x3c: {  	p2 =	seq.s32 s10, $0x1;
	s10 =	sld [smem:$0x3FB2]  }
0x3d: {  	_ =	shalt  }
0x3e: {  	_ =	shalt  }
0x3f: {  	_ =	shalt  }
0x40: {  	_ =	shalt  }
0x41: {  	_ =	shalt  }
0x42: {  	_ =	shalt  }
0x43: {  	_ =	shalt  }
0x44: {  	_ =	shalt  }
0x45: {  	_ =	shalt  }
0x46: {  	_ =	shalt  }
0x47: {  	_ =	shalt  }
0x48: {  	_ =	shalt  }
0x49: {  	_ =	shalt  }
0x4a: {  	_ =	shalt  }
0x4b: {  	_ =	shalt  }
0x4c: {  	_ =	shalt  }
0x4d: {  	_ =	shalt  }
0x4e: {  	_ =	shalt  }
0x4f: {  	_ =	shalt  }
0x50: {  	_ =	shalt  }
0x51: {  	_ =	shalt  }
0x52: {  	_ =	shalt  }
0x53: {  	_ =	shalt  }
0x54: {  	_ =	shalt  }
0x55: {  	_ =	shalt  }
0x56: {  	_ =	shalt  }
0x57: {  	_ =	shalt  }
0x58: {  	_ =	shalt  }
0x59: {  	_ =	shalt  }
0x5a: {  	_ =	shalt  }
0x5b: {  	_ =	shalt  }
0x5c: {  	_ =	shalt  }
0x5d: {  	_ =	shalt  }
0x5e: {  	_ =	shalt  }
0x5f: {  	_ =	shalt  }
0x60: {  	_ =	shalt  }
0x61: {  	_ =	shalt  }
0x62: {  	_ =	shalt  }
0x63: {  	_ =	shalt  }
0x64: {  	_ =	shalt  }
0x65: {  	_ =	shalt  }
0x66: {  	_ =	shalt  }
0x67: {  	_ =	shalt  }
0x68: {  	_ =	shalt  }
0x69: {  	_ =	shalt  }
0x6a: {  	_ =	shalt  }
0x6b: {  	_ =	shalt  }
0x6c: {  	_ =	shalt  }
0x6d: {  	_ =	shalt  }
0x6e: {  	_ =	shalt  }
0x6f: {  	_ =	shalt  }
0x70: {  	_ =	shalt  }
0x71: {  	_ =	shalt  }
0x72: {  	_ =	shalt  }
0x73: {  	_ =	shalt  }
0x74: {  	_ =	shalt  }
0x75: {  	_ =	shalt  }
0x76: {  	_ =	shalt  }
0x77: {  	_ =	shalt  }
0x78: {  	_ =	shalt  }
0x79: {  	_ =	shalt  }
0x7a: {  	_ =	shalt  }
0x7b: {  	_ =	shalt  }
0x7c: {  	_ =	shalt  }
0x7d: {  	_ =	shalt  }
0x7e: {  	_ =	shalt  }
0x7f: {  	_ =	shalt  }
0x80: {  	_ =	shalt  }
0x81: {  	_ =	shalt  }
0x82: {  	_ =	shalt  }
0x83: {  	_ =	shalt  }
0x84: {  	_ =	shalt  }
0x85: {  	_ =	shalt  }
0x86: {  	_ =	shalt  }
0x87: {  	_ =	shalt  }
.Lfunc_end0:
.L_simem_size_0:
called_computation.1_lowered:
.L_overlay_start_0:
0x88: {  	s2 =	sld [smem:$0x3FD9]  }
0x89: {  	s3 =	sld [smem:$0x3FFE];
	_ =	sdelay $0x1  }
0x8a: {  	s1 =	srdreg.scid  }
0x8b: {  	s0 =	sand.u32 $0x1, s1  }
0x8c: {  	s17 =	sshll.u32 s0, $0xA;
	s2 =	sadd.s32 s3, s2  }
0x8d: {  	s2 =	sadd.s32 s2, s17  }
0x8e: {  	[smem:$0x3FBE] =	sst s2  }
0x8f: {  	_ = 	snop  }
0x90: {  	s2 =	sld [smem:$0x3FD0];
	(tm) =	ssettm $0x1  }
0x91: {  	s18 =	sld [smem:$0x3FFB];
	_ =	sdelay $0x3  }
0x92: {  	_ =	strace s18  }
0x93: {  	s3 =	sld [smem:$0x3FFC];
	_ =	sdelay $0x3  }
0x94: {  	_ =	strace s3  }
0x95: {  	s3 =	sld [smem:$0x3FFD];
	_ =	sdelay $0x3  }
0x96: {  	_ =	strace s3  }
0x97: {  	_ =	strace $0x8FFFFFFF  }
0x98: {  	s19 =	sld [smem:$0x3FDB];
	_ =	sdelay $0x1  }
0x99: {  	s4 =	simm.s32 $_scs_section_size  }
0x9a: {  	s5 =	simm.s32 $_size__tile_overlayer_lowered;
	s6 =	simm.s32 $_tile_overlayer_lowered  }
0x9b: {  	s22 =	simm.s32 $0x1BFF;
	s21 =	sshll.u32 s6, $0x1;
	s3 =	sadd.s32 s4, s19  }
0x9c: {  	s7 =	simm.s32 $0x0;
	s20 =	sshll.u32 s5, $0x1;
	s5 =	sadd.s32 s21, s3  }
0x9d: {  	[timem:s7], [sflag:s22] =	dma.local [hbm:s5], s20  }
0x9e: {  	_ =	swait.ge [sflag:s22], s20  }
0x9f: {  	s4 =	ssub.s32 $0x0, s20;
	[sflag:s22] =	ssyncset.done $0x0  }
0xa0: {  	[sflag:s22] =	ssyncadd.s32 s4;
	_ =	sdelay $0x1  }
0xa1: {  	s23 =	simm.s32 $0x1B8B  }
0xa2: {  	_ =	swait.ge [sflag:s23], $0x1  }
0xa3: {  	[sflag:s23] =	ssyncset.done $0x0  }
0xa4: {  	s25 =	simm.s32 $0x1B8E;
	s24 =	sld [smem:$0x3FFE];
	[sflag:s23] =	ssyncadd.s32 $0xFFFFFFFF  }
0xa5: {  	s26 =	simm.s32 $execute0_lowered;
	[smem:$0x3FD2] =	sst s25  }
0xa6: {  	s5 =	sshll.u32 s26, $0x1;
	_ =	strace $0x80000049;
	[dreg:$0x1] =	wrdreg $0xFFFFFFFF  }
0xa7: {  	s28 =	simm.s32 $_size_execute0_lowered;
	s3 =	sadd.s32 s3, s5;
	[dreg:$0x0] =	wrdreg $0x0  }
0xa8: {  	s5 =	sshll.u32 s28, $0x1;
	[dreg:$0x2] =	wrdreg s3  }
0xa9: {  	[dreg:$0x3] =	wrdreg s5  }
0xaa: {  	[dreg:$0x4] =	wrdreg $0xC0  }
0xab: {  	_ =	task [dreg:s7], $0x5FFFF  }
0xac: {  	[dreg:$0x1] =	wrdreg $0xFFFFFFFF  }
0xad: {  	[dreg:$0x0] =	wrdreg $0x60  }
0xae: {  	[dreg:$0x2] =	wrdreg s2  }
0xaf: {  	[dreg:$0x3] =	wrdreg s24  }
0xb0: {  	[dreg:$0x4] =	wrdreg $0xC3000  }
0xb1: {  	[dreg:$0x5] =	wrdreg $0x9  }
0xb2: {  	_ =	task.clear_ibuf [dreg:s7], $0x6FFFF;
	_ =	strace $0x90000049  }
0xb3: {  	s29 =	simm.s32 $0x9;
	_ =	strace $0x8000004B  }
0xb4: {  	_ =	swait.ge [sflag:s29], $0x1  }
0xb5: {  	[sflag:s29] =	ssyncadd.s32 $0xFFFFFFFF  }
0xb6: {  	_ =	strace $0x9000004B  }
0xb7: {  	_ =	sfence  }
0xb8: {  	s30 =	sld [smem:$0x0];
	_ =	sdelay $0x2  }
0xb9: {  	s31 =	sshll.u32 s1, $0xD;
	s1 =	sshrl.u32 s1, $0x2  }
0xba: {  	s3 =	sand.u32 $0x4000, s31;
	s1 =	sadd.s32 s1, s30  }
0xbb: {  	s0 =	sor.u32 s3, s0;
	s1 =	sshll.u32 s1, $0x11  }
0xbc: {  	s0 =	sor.u32 s1, s0  }
0xbd: {  	s0 =	sadd.s32 $0x8F2B, s0  }
0xbe: {  	[sflag:s0] =	ssyncadd.remote.s32 $0x1  }
0xbf: {  	_ =	sfence.sel $0xFFFF  }
0xc0: {  	[dreg:$0x0] =	wrdreg $0xFFFFFFFF;
	(pc) =	sbr.abs _section_cstart, $3  }
0xc1: {  	[dreg:$0x1] =	wrdreg $0xFFFFFFFF  }
0xc2: {  	_ =	task.clear_ibuf [dreg:s7], $0x2FFFF;
	_ =	strace $0x9FFFFFFF  }
0xc3: {  	(tm) =	ssettm $0x7FFFFFFF  }
tec
execute0_lowered:
.L_overlay_start_1:
0x0: {  	(tag) =	ssettag $0x1  }
0x1: {  	s1 =	rddreg [dreg:$0x0]  }
0x2: {  	s5 =	rddreg [dreg:$0x1];
	s0 =	stileid.u32  }
0x3: {  	s2 =	srdreg.scid;
	s3 =	rddreg [dreg:$0x2]  }
0x4: {  	s14 =	simm.s32 $0x80;
	s15 =	simm.s32 $0x300;
	s16 =	simm.s32 $0x180  }
0x5: {  	s17 =	simm.s32 $0x4300;
	s18 =	simm.s32 $0x200;
	s19 =	simm.s32 $0x100  }
0x6: {  	s20 =	simm.s32 $0x8300;
	s21 =	simm.s32 $0x280;
	s4 =	smul.u32 $0x36, s0  }
0x7: {  	s22 =	simm.s32 $0x1;
	s23 =	simm.s32 $0x2;
	s7 =	smul.u32 $0x69, s0  }
0x8: {  	s24 =	simm.s32 $0x3;
	s25 =	simm.s32 $0x0;
	s26 =	smul.u32 $0x13C00, s0  }
0x9: {  	s6 =	sand.u32 $0x1, s2;
	s2 =	rddreg [dreg:$0x3];
	s29 =	smul.u32 $0x4F000, s0  }
0xa: {  	s31 =	sshll.u32 s0, $0x6;
	p0 =	seq.s32 s6, $0x0;
	s9 =	smul.u32 $0x13C000, s6  }
0xb: {  	s6 =	ssub.s32 $0x2, s6;
	s8 =	sadd.s32 $0x690, s4;
	s4 =	simm.s32 $0x0  }
0xc: {  	s28 =	sshrl.u32 s26, $0x3;
	s10 =	sshrl.u32 s6, $0x1;
	s30 =	sshrl.u32 s29, $0x2  }
0xd: {  	s8 =	smov.u32 @p0 s7;
	[smem:$0x7FF] =	sst s4;
	s7 =	sadd.s32 s26, s9  }
0xe: {  	s10 =	ssub.s32 s6, s10;
	s13 =	sadd.s32 s30, s3;
	s8 =	sshll.u32 s8, $0x4  }
0xf: {  	_ =	strace $0x8000004A;
	s7 =	sshrl.u32 s7, $0x3;
	s9 =	smax.u32 s10, $0x1  }
0x10: {  	s11 =	sadd.s32 s8, s5;
	s8 =	sadd.s32 s28, s5;
	s12 =	sadd.s32 s7, s5  }
0x11: {  	s5 =	simm.s32 $0x690;
	s7 =	sor.u32 $0x1C04, s31;
	s6 =	sadd.s32 $0x16200, s8  }
0x12: {  	s5 =	simm.s32 @!p0 $0x360;
	s8 =	sadd.s32 $0x3DA00, s12;
	s10 =	sadd.s32 $0x2200, s11  }
0x13: {  	s11 =	sadd.s32 $0xC200, s11;
	s12 =	sshrl.u32 s13, $0x3;
	s13 =	simm.s32 $0x4  }
.LBB2_1:
0x14: {  	[spmem:s12], [sflag:s7] =	dma.local [hbm:s6], $0x2780  }
0x15: {  	p1 =	sne.s32 s5, $0x30  }
.Ltmp0:
0x16: {  	_ =	swait.ge [sflag:s13], $0x2780;
	(pc) =	sbr.rel @!p1 .LBB2_6-.Ltmp0, $4  }
0x17: {  	[sflag:s13] =	ssyncset.done $0x0  }
0x18: {  	[sflag:s13] =	ssyncadd.s32 $0xFFFFD880  }
0x19: {  	[bflag:$0x0] =	sbarrier.arrive $0xFFFF  }
0x1a: {  	s26 =	simm.s32 $0x30;
	p0 =	por $0x0, $0x0;
	s28 =	simm.s32 $0x0  }
0x1b: {  	s28 =	sadd.s32 $0x0, s11  }
0x1c: {  	[tilespmem:s4], [sflag:$0x4] =	stream.linear.gather [hbm4b:s28+s4], $0x80, $0x38;
	[tilespmem:$0x1FF00] =	vst v63  }
0x1d: {  	_ =	swait.ge [sflag:s13], $0x80  }
0x1e: {  	[sflag:s13] =	ssyncset.done $0x0  }
0x1f: {  	[sflag:s13] =	ssyncadd.s32 $0xFFFFFF80  }
0x20: {  	[tilespmem:s15], [sflag:$0x1] =	stream.indirect.gather [hbm4b:s1+s14], $0x80, s4, s14, $0xb8;
	[tilespmem:$0x1FF00] =	vst v63  }
0x21: {  	s29 =	sadd.s32 $0x0, s10  }
0x22: {  	[tilespmem:s16], [sflag:$0x4] =	stream.linear.gather [hbm4b:s29+s4], $0x80, $0x38;
	[tilespmem:$0x1FF00] =	vst v63  }
0x23: {  	_ =	swait.ge [sflag:s13], $0x80  }
0x24: {  	[sflag:s13] =	ssyncset.done $0x0  }
0x25: {  	s30 =	sadd.s32 $0x10, s28;
	[sflag:s13] =	ssyncadd.s32 $0xFFFFFF80  }
0x26: {  	[tilespmem:s14], [sflag:$0x4] =	stream.linear.gather [hbm4b:s30+s4], $0x80, $0x38;
	[tilespmem:$0x1FF00] =	vst v63  }
0x27: {  	_ =	swait.ge [sflag:s13], $0x80  }
0x28: {  	[sflag:s13] =	ssyncset.done $0x0  }
0x29: {  	[sflag:s13] =	ssyncadd.s32 $0xFFFFFF80  }
0x2a: {  	[tilespmem:s17], [sflag:$0x2] =	stream.indirect.gather [hbm4b:s1+s14], $0x80, s14, s14, $0xb8;
	[tilespmem:$0x1FF00] =	vst v63  }
0x2b: {  	s31 =	sadd.s32 $0x10, s29  }
0x2c: {  	[tilespmem:s18], [sflag:$0x4] =	stream.linear.gather [hbm4b:s31+s4], $0x80, $0x38;
	[tilespmem:$0x1FF00] =	vst v63  }
0x2d: {  	_ =	swait.ge [sflag:s13], $0x80  }
0x2e: {  	[sflag:s13] =	ssyncset.done $0x0  }
0x2f: {  	s28 =	sadd.s32 $0x20, s28;
	[sflag:s13] =	ssyncadd.s32 $0xFFFFFF80  }
0x30: {  	[tilespmem:s19], [sflag:$0x4] =	stream.linear.gather [hbm4b:s28+s4], $0x80, $0x38;
	[tilespmem:$0x1FF00] =	vst v63  }
0x31: {  	_ =	swait.ge [sflag:s13], $0x80  }
0x32: {  	[sflag:s13] =	ssyncset.done $0x0  }
0x33: {  	[sflag:s13] =	ssyncadd.s32 $0xFFFFFF80  }
0x34: {  	[tilespmem:s20], [sflag:$0x3] =	stream.indirect.gather [hbm4b:s1+s14], $0x80, s19, s14, $0xb8;
	[tilespmem:$0x1FF00] =	vst v63  }
0x35: {  	s28 =	sadd.s32 $0x20, s29  }
0x36: {  	[tilespmem:s21], [sflag:$0x4] =	stream.linear.gather [hbm4b:s28+s4], $0x80, $0x38;
	[tilespmem:$0x1FF00] =	vst v63  }
0x37: {  	_ =	swait.ge [sflag:s13], $0x80  }
0x38: {  	[sflag:s13] =	ssyncset.done $0x0  }
0x39: {  	[sflag:s13] =	ssyncadd.s32 $0xFFFFFF80  }
0x3a: {  	_ =	swait.ge [sflag:s22], $0x4000  }
0x3b: {  	[sflag:s22] =	ssyncset.done $0x0  }
0x3c: {  	[sflag:s22] =	ssyncadd.s32 $0xFFFFC000  }
0x3d: {  	[spmem:s3] =	stream.indirect.scatter.add.f32 [tilespmem:s15], [sflag:$0x4], $0x80, s16, s14, $0xb8;
	[tilespmem:$0x1FF00] =	vst v63  }
0x3e: {  	_ =	swait.ge [sflag:s13], $0x4000  }
0x3f: {  	[sflag:s13] =	ssyncset.done $0x0  }
0x40: {  	[sflag:s13] =	ssyncadd.s32 $0xFFFFC000  }
0x41: {  	_ =	swait.ge [sflag:s23], $0x4000  }
0x42: {  	[sflag:s23] =	ssyncset.done $0x0  }
0x43: {  	[sflag:s23] =	ssyncadd.s32 $0xFFFFC000  }
0x44: {  	[spmem:s3] =	stream.indirect.scatter.add.f32 [tilespmem:s17], [sflag:$0x4], $0x80, s18, s14, $0xb8;
	[tilespmem:$0x1FF00] =	vst v63  }
0x45: {  	_ =	swait.ge [sflag:s13], $0x4000  }
0x46: {  	[sflag:s13] =	ssyncset.done $0x0  }
0x47: {  	[sflag:s13] =	ssyncadd.s32 $0xFFFFC000  }
0x48: {  	p1 =	sne.s32 s5, $0x60;
	_ =	swait.ge [sflag:s24], $0x4000  }
.Ltmp1:
0x49: {  	[sflag:s24] =	ssyncset.done $0x0;
	(pc) =	sbr.rel @!p1 .LBB2_3-.Ltmp1, $4  }
0x4a: {  	[sflag:s24] =	ssyncadd.s32 $0xFFFFC000  }
0x4b: {  	[spmem:s3] =	stream.indirect.scatter.add.f32 [tilespmem:s20], [sflag:$0x4], $0x80, s21, s14, $0xb8;
	[tilespmem:$0x1FF00] =	vst v63  }
0x4c: {  	_ =	swait.ge [sflag:s13], $0x4000  }
0x4d: {  	p0 =	por $0x1, $0x1;
	s28 =	simm.s32 $0x60;
	[sflag:s13] =	ssyncset.done $0x0  }
.LBB2_4:
0x4e: {  	s29 =	sadd.s32 s26, s11  }
0x4f: {  	[sflag:s13] =	ssyncadd.s32 $0xFFFFC000;
	s30 =	smov.u32 s28;
	s28 =	sadd.s32 $0x30, s28  }
0x50: {  	[tilespmem:s4], [sflag:$0x4] =	stream.linear.gather [hbm4b:s29+s4], $0x80, $0x38;
	[tilespmem:$0x1FF00] =	vst v63  }
0x51: {  	p1 =	sne.s32 s5, s28;
	_ =	swait.ge [sflag:s13], $0x80  }
0x52: {  	[sflag:s13] =	ssyncset.done $0x0  }
0x53: {  	[sflag:s13] =	ssyncadd.s32 $0xFFFFFF80  }
0x54: {  	[tilespmem:s15], [sflag:$0x1] =	stream.indirect.gather [hbm4b:s1+s14], $0x80, s4, s14, $0xb8;
	[tilespmem:$0x1FF00] =	vst v63  }
0x55: {  	s31 =	sadd.s32 s26, s10;
	s26 =	smov.u32 s30  }
0x56: {  	[tilespmem:s16], [sflag:$0x4] =	stream.linear.gather [hbm4b:s31+s4], $0x80, $0x38;
	[tilespmem:$0x1FF00] =	vst v63  }
0x57: {  	_ =	swait.ge [sflag:s13], $0x80  }
0x58: {  	[sflag:s13] =	ssyncset.done $0x0  }
0x59: {  	s30 =	sadd.s32 $0x10, s29;
	[sflag:s13] =	ssyncadd.s32 $0xFFFFFF80  }
0x5a: {  	[tilespmem:s14], [sflag:$0x4] =	stream.linear.gather [hbm4b:s30+s4], $0x80, $0x38;
	[tilespmem:$0x1FF00] =	vst v63  }
0x5b: {  	_ =	swait.ge [sflag:s13], $0x80  }
0x5c: {  	[sflag:s13] =	ssyncset.done $0x0  }
0x5d: {  	[sflag:s13] =	ssyncadd.s32 $0xFFFFFF80  }
0x5e: {  	[tilespmem:s17], [sflag:$0x2] =	stream.indirect.gather [hbm4b:s1+s14], $0x80, s14, s14, $0xb8;
	[tilespmem:$0x1FF00] =	vst v63  }
0x5f: {  	s30 =	sadd.s32 $0x10, s31  }
0x60: {  	[tilespmem:s18], [sflag:$0x4] =	stream.linear.gather [hbm4b:s30+s4], $0x80, $0x38;
	[tilespmem:$0x1FF00] =	vst v63  }
0x61: {  	_ =	swait.ge [sflag:s13], $0x80  }
0x62: {  	[sflag:s13] =	ssyncset.done $0x0  }
0x63: {  	s29 =	sadd.s32 $0x20, s29;
	[sflag:s13] =	ssyncadd.s32 $0xFFFFFF80  }
0x64: {  	[tilespmem:s19], [sflag:$0x4] =	stream.linear.gather [hbm4b:s29+s4], $0x80, $0x38;
	[tilespmem:$0x1FF00] =	vst v63  }
0x65: {  	_ =	swait.ge [sflag:s13], $0x80  }
0x66: {  	[sflag:s13] =	ssyncset.done $0x0  }
0x67: {  	[sflag:s13] =	ssyncadd.s32 $0xFFFFFF80  }
0x68: {  	[tilespmem:s20], [sflag:$0x3] =	stream.indirect.gather [hbm4b:s1+s14], $0x80, s19, s14, $0xb8;
	[tilespmem:$0x1FF00] =	vst v63  }
0x69: {  	s29 =	sadd.s32 $0x20, s31  }
0x6a: {  	[tilespmem:s21], [sflag:$0x4] =	stream.linear.gather [hbm4b:s29+s4], $0x80, $0x38;
	[tilespmem:$0x1FF00] =	vst v63  }
0x6b: {  	_ =	swait.ge [sflag:s13], $0x80  }
0x6c: {  	[sflag:s13] =	ssyncset.done $0x0  }
0x6d: {  	[sflag:s13] =	ssyncadd.s32 $0xFFFFFF80  }
0x6e: {  	_ =	swait.ge [sflag:s22], $0x4000  }
0x6f: {  	[sflag:s22] =	ssyncset.done $0x0  }
0x70: {  	[sflag:s22] =	ssyncadd.s32 $0xFFFFC000  }
0x71: {  	[spmem:s3] =	stream.indirect.scatter.add.f32 [tilespmem:s15], [sflag:$0x4], $0x80, s16, s14, $0xb8;
	[tilespmem:$0x1FF00] =	vst v63  }
0x72: {  	_ =	swait.ge [sflag:s13], $0x4000  }
0x73: {  	[sflag:s13] =	ssyncset.done $0x0  }
0x74: {  	[sflag:s13] =	ssyncadd.s32 $0xFFFFC000  }
0x75: {  	_ =	swait.ge [sflag:s23], $0x4000  }
0x76: {  	[sflag:s23] =	ssyncset.done $0x0  }
0x77: {  	[sflag:s23] =	ssyncadd.s32 $0xFFFFC000  }
0x78: {  	[spmem:s3] =	stream.indirect.scatter.add.f32 [tilespmem:s17], [sflag:$0x4], $0x80, s18, s14, $0xb8;
	[tilespmem:$0x1FF00] =	vst v63  }
0x79: {  	_ =	swait.ge [sflag:s13], $0x4000  }
0x7a: {  	[sflag:s13] =	ssyncset.done $0x0  }
0x7b: {  	[sflag:s13] =	ssyncadd.s32 $0xFFFFC000  }
0x7c: {  	_ =	swait.ge [sflag:s24], $0x4000  }
.Ltmp2:
0x7d: {  	[sflag:s24] =	ssyncset.done $0x0;
	(pc) =	sbr.rel @p1 .LBB2_4-.Ltmp2, $4  }
0x7e: {  	[sflag:s24] =	ssyncadd.s32 $0xFFFFC000  }
0x7f: {  	[spmem:s3] =	stream.indirect.scatter.add.f32 [tilespmem:s20], [sflag:$0x4], $0x80, s21, s14, $0xb8;
	[tilespmem:$0x1FF00] =	vst v63  }
0x80: {  	_ =	swait.ge [sflag:s13], $0x4000  }
0x81: {  	[sflag:s13] =	ssyncset.done $0x0  }
0x82: {  	s28 =	smov.u32 s26  }
.LBB2_6:
0x83: {  	s26 =	sadd.s32 s28, s11;
	[sflag:s13] =	ssyncadd.s32 @p0 $0xFFFFC000  }
0x84: {  	[tilespmem:s4], [sflag:$0x4] =	stream.linear.gather [hbm4b:s26+s4], $0x80, $0x38;
	[tilespmem:$0x1FF00] =	vst v63  }
0x85: {  	_ =	swait.ge [sflag:s13], $0x80  }
0x86: {  	[sflag:s13] =	ssyncset.done $0x0  }
0x87: {  	[sflag:s13] =	ssyncadd.s32 $0xFFFFFF80  }
0x88: {  	[tilespmem:s15], [sflag:$0x1] =	stream.indirect.gather [hbm4b:s1+s14], $0x80, s4, s14, $0xb8;
	[tilespmem:$0x1FF00] =	vst v63  }
0x89: {  	s31 =	sadd.s32 s28, s10  }
0x8a: {  	[tilespmem:s16], [sflag:$0x4] =	stream.linear.gather [hbm4b:s31+s4], $0x80, $0x38;
	[tilespmem:$0x1FF00] =	vst v63  }
0x8b: {  	_ =	swait.ge [sflag:s13], $0x80  }
0x8c: {  	[sflag:s13] =	ssyncset.done $0x0  }
0x8d: {  	s29 =	sadd.s32 $0x10, s26;
	[sflag:s13] =	ssyncadd.s32 $0xFFFFFF80  }
0x8e: {  	[tilespmem:s14], [sflag:$0x4] =	stream.linear.gather [hbm4b:s29+s4], $0x80, $0x38;
	[tilespmem:$0x1FF00] =	vst v63  }
0x8f: {  	_ =	swait.ge [sflag:s13], $0x80  }
0x90: {  	[sflag:s13] =	ssyncset.done $0x0  }
0x91: {  	[sflag:s13] =	ssyncadd.s32 $0xFFFFFF80  }
0x92: {  	[tilespmem:s17], [sflag:$0x2] =	stream.indirect.gather [hbm4b:s1+s14], $0x80, s14, s14, $0xb8;
	[tilespmem:$0x1FF00] =	vst v63  }
0x93: {  	s30 =	sadd.s32 $0x10, s31  }
0x94: {  	[tilespmem:s18], [sflag:$0x4] =	stream.linear.gather [hbm4b:s30+s4], $0x80, $0x38;
	[tilespmem:$0x1FF00] =	vst v63  }
0x95: {  	_ =	swait.ge [sflag:s13], $0x80  }
0x96: {  	[sflag:s13] =	ssyncset.done $0x0  }
0x97: {  	s26 =	sadd.s32 $0x20, s26;
	[sflag:s13] =	ssyncadd.s32 $0xFFFFFF80  }
0x98: {  	[tilespmem:s19], [sflag:$0x4] =	stream.linear.gather [hbm4b:s26+s4], $0x80, $0x38;
	[tilespmem:$0x1FF00] =	vst v63  }
0x99: {  	_ =	swait.ge [sflag:s13], $0x80  }
0x9a: {  	[sflag:s13] =	ssyncset.done $0x0  }
0x9b: {  	[sflag:s13] =	ssyncadd.s32 $0xFFFFFF80  }
0x9c: {  	[tilespmem:s20], [sflag:$0x3] =	stream.indirect.gather [hbm4b:s1+s14], $0x80, s19, s14, $0xb8;
	[tilespmem:$0x1FF00] =	vst v63  }
0x9d: {  	s31 =	sadd.s32 $0x20, s31  }
0x9e: {  	[tilespmem:s21], [sflag:$0x4] =	stream.linear.gather [hbm4b:s31+s4], $0x80, $0x38;
	[tilespmem:$0x1FF00] =	vst v63  }
0x9f: {  	_ =	swait.ge [sflag:s13], $0x80  }
0xa0: {  	[sflag:s13] =	ssyncset.done $0x0  }
0xa1: {  	[sflag:s13] =	ssyncadd.s32 $0xFFFFFF80  }
0xa2: {  	_ =	swait.ge [sflag:s22], $0x4000  }
0xa3: {  	[sflag:s22] =	ssyncset.done $0x0  }
0xa4: {  	[sflag:s22] =	ssyncadd.s32 $0xFFFFC000  }
0xa5: {  	[spmem:s3] =	stream.indirect.scatter.add.f32 [tilespmem:s15], [sflag:$0x4], $0x80, s16, s14, $0xb8;
	[tilespmem:$0x1FF00] =	vst v63  }
0xa6: {  	_ =	swait.ge [sflag:s13], $0x4000  }
0xa7: {  	[sflag:s13] =	ssyncset.done $0x0  }
0xa8: {  	[sflag:s13] =	ssyncadd.s32 $0xFFFFC000  }
0xa9: {  	_ =	swait.ge [sflag:s23], $0x4000  }
0xaa: {  	[sflag:s23] =	ssyncset.done $0x0  }
0xab: {  	[sflag:s23] =	ssyncadd.s32 $0xFFFFC000  }
0xac: {  	[spmem:s3] =	stream.indirect.scatter.add.f32 [tilespmem:s17], [sflag:$0x4], $0x80, s18, s14, $0xb8;
	[tilespmem:$0x1FF00] =	vst v63  }
0xad: {  	_ =	swait.ge [sflag:s13], $0x4000  }
0xae: {  	[sflag:s13] =	ssyncset.done $0x0  }
0xaf: {  	[sflag:s13] =	ssyncadd.s32 $0xFFFFC000  }
0xb0: {  	_ =	swait.ge [sflag:s24], $0x4000  }
0xb1: {  	[sflag:s24] =	ssyncset.done $0x0  }
0xb2: {  	[sflag:s24] =	ssyncadd.s32 $0xFFFFC000  }
0xb3: {  	[spmem:s3] =	stream.indirect.scatter.add.f32 [tilespmem:s20], [sflag:$0x4], $0x80, s21, s14, $0xb8;
	[tilespmem:$0x1FF00] =	vst v63  }
0xb4: {  	_ =	swait.ge [sflag:s13], $0x4000  }
0xb5: {  	[sflag:s13] =	ssyncset.done $0x0  }
0xb6: {  	s25 =	sadd.s32 $0x1, s25;
	[sflag:s13] =	ssyncadd.s32 $0xFFFFC000  }
0xb7: {  	p0 =	sne.s32 s25, s9;
	[bflag:$0x0] =	sbarrier.arrive $0xFFFF  }
0xb8: {  	[hbm:s8], [sflag:s7] =	dma.local [spmem:s12], $0x2780  }
.Ltmp3:
0xb9: {  	_ = 	snop;
	(pc) =	sbr.rel @p0 .LBB2_1-.Ltmp3, $4  }
.Ltmp4:
0xba: {  	_ = 	snop;
	(pc) =	sbr.rel @!p0 .LBB2_7-.Ltmp4, $4  }
0xbb: {  	_ =	swait.ge [sflag:s13], $0x2780  }
0xbc: {  	[sflag:s13] =	ssyncset.done $0x0  }
0xbd: {  	[sflag:s13] =	ssyncadd.s32 $0xFFFFD880  }
0xbe: {  	_ = 	snop  }
.LBB2_3:
.Ltmp5:
0xbf: {  	(pc) =	sbr.rel .LBB2_6-.Ltmp5, $2  }
0xc0: {  	_ =	sdelay $0x2  }
0xc1: {  	s28 =	simm.s32 $0x30  }
.LBB2_7:
0xc2: {  	_ =	sfence.sel $0x180000  }
0xc3: {  	[bflag:$0x0] =	sbarrier.arrive $0xFFFF  }
0xc4: {  	p0 =	sne.s32 s0, $0x0;
	_ =	strace $0x9000004A  }
0xc5: {  	s0 =	sadd.s32 @!p0 $0x100000, s2;
	[bflag:$0x2] =	sbarrier.arrive $0xFFFF  }
0xc6: {  	[sflag:s0] =	ssyncadd.tile.s32 @!p0 $0x1;
	_ =	shalt  }
.Lfunc_end2:
_tile_overlayer_lowered:
.L_overlay_start_2:
0xc7: {  	(tag) =	ssettag $0x2  }
0xc8: {  	s0 =	rddreg [dreg:$0x0];
	s2 =	stileid.u32  }
0xc9: {  	s1 =	rddreg [dreg:$0x1];
	p0 =	sne.s32 s2, $0x0  }
0xca: {  	s3 =	rddreg [dreg:$0x2];
	[bflag:$0x3] =	sbarrier.arrive $0xFFFF;
	s2 =	simm.s32 @!p0 $0x1C04  }
0xcb: {  	[timem:s3], [sflag:s2] =	dma.local @!p0 [hbm:s0], s1  }
0xcc: {  	s0 =	simm.s32 @!p0 $0x4  }
0xcd: {  	_ =	swait.ge @!p0 [sflag:s0], s1  }
0xce: {  	s1 =	ssub.s32 @!p0 $0x0, s1;
	[sflag:s0] =	ssyncset.done @!p0 $0x0  }
0xcf: {  	[sflag:s0] =	ssyncadd.s32 @!p0 s1  }
0xd0: {  	[bflag:$0x3] =	sbarrier.arrive $0xFFFF  }
0xd1: {  	_ =	shalt  }

</sc_bundles>
